<compile_context>
chip_gen: v7x
topology: tpu7x:2x2x1
jax: 0.10.2.dev20260603
libtpu: 0.0.44.dev20260713+nightly
codegen_flags: <defaults>
</compile_context>

<pallas_src>
import jax
import jax.numpy as jnp
from jax import lax
from jax.experimental import pallas as pl
from jax.experimental.pallas import tpu as pltpu
from jax.experimental.pallas import tpu_sc as plsc

F = 2048
T = 32
NV = 32
NCROPS = 10
B = NV * NCROPS
NSIZE = 16
K = 3
S = 8
ROWS = S * T
NW = 32
RPW = 30

_BF = jnp.bfloat16
_F32 = jnp.float32


def _ab_body(x_ref, w1_ref, b1_ref, w2_ref, b2_ref, w3_ref, b3_ref, w4_ref,
             gw_ref, gb_ref, thw_ref, thb_ref, phw_ref, phb_ref,
             ww_ref, wb_ref, outd_ref, z_ref):
    xb = x_ref[...].astype(_BF)
    zpad = jnp.zeros((S, 4, F), _BF)
    xp = jnp.concatenate([zpad, xb, zpad], axis=1)
    x = xb.reshape(ROWS, F)

    for j, (w_ref, b_ref, d) in enumerate(
            ((w1_ref, b1_ref, 1), (w2_ref, b2_ref, 2), (w3_ref, b3_ref, 4))):
        acc = jnp.broadcast_to(b_ref[...][None, :], (ROWS, 512))
        for k in range(3):
            sl = xp[:, 4 - d + d * k:4 - d + d * k + T, :].reshape(ROWS, F)
            acc = acc + jnp.dot(sl, w_ref[k], preferred_element_type=_F32)
        outd_ref[:, :, j * 512:(j + 1) * 512] = (
            jnp.maximum(acc, 0.0).astype(_BF).reshape(S, T, 512))

    o4 = jnp.maximum(jnp.dot(x, w4_ref[...], preferred_element_type=_F32), 0.0)
    o4b = o4.astype(_BF)

    gx = jnp.dot(o4b, gw_ref[...], preferred_element_type=_F32) + gb_ref[...][None, :]
    th = jnp.dot(o4b, thw_ref[...], preferred_element_type=_F32) + thb_ref[...][None, :]
    ph = jnp.dot(o4b, phw_ref[...], preferred_element_type=_F32) + phb_ref[...][None, :]
    gxb, thb, phb = gx.astype(_BF), th.astype(_BF), ph.astype(_BF)
    logits = lax.dot_general(thb, phb, (((1,), (1,)), ((), ())),
                             preferred_element_type=_F32)
    ri = lax.broadcasted_iota(jnp.int32, (ROWS, ROWS), 0)
    ci = lax.broadcasted_iota(jnp.int32, (ROWS, ROWS), 1)
    same = (ri // T) == (ci // T)
    logits = jnp.where(same, logits, jnp.float32(-3e38))
    att = jax.nn.softmax(logits, axis=-1).astype(_BF)
    y = jnp.dot(att, gxb, preferred_element_type=_F32).astype(_BF)
    z = (jnp.dot(y, ww_ref[...], preferred_element_type=_F32)
         + wb_ref[...][None, :] + o4)
    z_ref[...] = z.astype(_BF).reshape(S, T, 512)


def _c_body(od_ref, z_ref, x_ref, w5a_ref, w5b_ref, b5_ref,
            f1_ref, f1b_ref, f2_ref, f2b_ref, f3_ref, f3b_ref,
            feat_ref, norms_ref, scores_ref):
    od = od_ref[...]
    zz = z_ref[...]
    odp = jnp.concatenate(
        [jnp.zeros((S, 1, 1536), _BF), od, jnp.zeros((S, 1, 1536), _BF)], axis=1)
    zp = jnp.concatenate(
        [jnp.zeros((S, 1, 512), _BF), zz, jnp.zeros((S, 1, 512), _BF)], axis=1)
    acc = jnp.broadcast_to(b5_ref[...][None, :], (ROWS, F))
    for k in range(3):
        sa = odp[:, k:k + T, :].reshape(ROWS, 1536)
        sb = zp[:, k:k + T, :].reshape(ROWS, 512)
        acc = (acc + jnp.dot(sa, w5a_ref[k], preferred_element_type=_F32)
               + jnp.dot(sb, w5b_ref[k], preferred_element_type=_F32))
    feat = jnp.maximum(acc, 0.0) + x_ref[...].reshape(ROWS, F)
    feat_ref[...] = feat.reshape(S, T, F)
    norms_ref[...] = jnp.sqrt(jnp.sum(feat * feat, axis=1)).reshape(1, S, T)
    h1 = jnp.maximum(jnp.dot(feat.astype(_BF), f1_ref[...],
                             preferred_element_type=_F32)
                     + f1b_ref[...][None, :], 0.0)
    h2 = jnp.maximum(jnp.dot(h1.astype(_BF), f2_ref[...],
                             preferred_element_type=_F32)
                     + f2b_ref[...][None, :], 0.0)
    logit = jnp.sum(h2 * f3_ref[...][None, :], axis=1) + f3b_ref[0]
    scores_ref[...] = jax.nn.sigmoid(logit).reshape(1, S, T)


def _top3(a):
    col = lax.broadcasted_iota(jnp.int32, (NSIZE, T), 1)
    idxs, onehots = [], []
    for _ in range(K):
        mx = jnp.max(a, axis=1, keepdims=True)
        cand = jnp.where(a >= mx, col, jnp.int32(2 * T))
        idx = jnp.min(cand, axis=1)
        oh = (col == idx[:, None])
        idxs.append(idx)
        onehots.append(oh)
        a = jnp.where(oh, jnp.float32(-3e38), a)
    return idxs, onehots


def _d_body(norms_ref, scores_ref, fm_ref, x_ref, sab_ref, sno_ref, idx_ref):
    norms = norms_ref[...]
    scores = scores_ref[...]
    srow = lax.broadcasted_iota(jnp.int32, (NV, B), 1)
    vrow = lax.broadcasted_iota(jnp.int32, (NV, B), 0)
    sel = jnp.where(srow // NCROPS == vrow, jnp.float32(1.0 / NCROPS),
                    jnp.float32(0.0))
    fm = jnp.dot(sel, norms, preferred_element_type=_F32,
                 precision=lax.Precision.HIGHEST)
    x2 = jnp.dot(sel, scores, preferred_element_type=_F32,
                 precision=lax.Precision.HIGHEST)
    fm_ref[...] = fm
    x_ref[...] = x2

    idx_abn, oh_abn = _top3(fm[NSIZE:, :])
    idx_nor, oh_nor = _top3(fm[:NSIZE, :])
    xa = x2[NSIZE:, :]
    xn = x2[:NSIZE, :]
    sab = sum(jnp.sum(jnp.where(oh, xa, 0.0), axis=1) for oh in oh_abn) / K
    sno = sum(jnp.sum(jnp.where(oh, xn, 0.0), axis=1) for oh in oh_nor) / K
    sab_ref[...] = sab.reshape(NSIZE, 1)
    sno_ref[...] = sno.reshape(NSIZE, 1)

    w = lax.broadcasted_iota(jnp.int32, (NW, T), 0)
    i = lax.broadcasted_iota(jnp.int32, (NW, T), 1)
    j = w * RPW + i
    r = j % (NSIZE * K)
    n = r // K
    c = (j % 480) // (NSIZE * K)
    abn = j < 480
    t = jnp.zeros((NW, T), jnp.int32)
    for m in range(NSIZE * K):
        tm = jnp.where(abn, idx_abn[m % K][m // K], idx_nor[m % K][m // K])
        t = jnp.where(r == m, tm, t)
    sample = jnp.where(abn, 160, 0) + n * NCROPS + c
    flat = sample * T + t
    idx_ref[...] = jnp.where((i < RPW) & (j < 960), flat, 0)


def _sc_gather_body(table_ref, idx_ref, out_ref, idx_v, rows_v, sem):
    wid = lax.axis_index("s") * 2 + lax.axis_index("c")
    pltpu.sync_copy(idx_ref.at[wid], idx_v)
    pltpu.async_copy(table_ref.at[idx_v], rows_v, sem).wait()
    pltpu.sync_copy(rows_v, out_ref.at[pl.ds(wid * T, T)])


def _sc_gather(table, idx2d):
    mesh = plsc.VectorSubcoreMesh(core_axis_name="c", subcore_axis_name="s")
    return pl.kernel(
        _sc_gather_body,
        out_type=jax.ShapeDtypeStruct((NW * T, F), jnp.float32),
        mesh=mesh,
        scratch_types=[
            pltpu.VMEM((T,), jnp.int32),
            pltpu.VMEM((T, F), jnp.float32),
            pltpu.SemaphoreType.DMA,
        ],
    )(table, idx2d)


def kernel(inputs, c1_w, c1_b, c2_w, c2_b, c3_w, c3_b, c4_w, c5_w, c5_b,
           g_w, g_b, th_w, th_b, ph_w, ph_b, W_w, W_b,
           fc1_w, fc1_b, fc2_w, fc2_b, fc3_w, fc3_b):
    x = inputs.reshape(B, T, F)

    w1 = jnp.transpose(c1_w, (2, 1, 0)).astype(_BF)
    w2 = jnp.transpose(c2_w, (2, 1, 0)).astype(_BF)
    w3 = jnp.transpose(c3_w, (2, 1, 0)).astype(_BF)
    w4 = jnp.transpose(c4_w[:, :, 0], (1, 0)).astype(_BF)
    gw = jnp.transpose(g_w[:, :, 0], (1, 0)).astype(_BF)
    thw = jnp.transpose(th_w[:, :, 0], (1, 0)).astype(_BF)
    phw = jnp.transpose(ph_w[:, :, 0], (1, 0)).astype(_BF)
    ww = jnp.transpose(W_w[:, :, 0], (1, 0)).astype(_BF)
    w5 = jnp.transpose(c5_w, (2, 1, 0)).astype(_BF)
    w5a = w5[:, :1536, :]
    w5b = w5[:, 1536:, :]
    f1 = jnp.transpose(fc1_w, (1, 0)).astype(_BF)
    f2 = jnp.transpose(fc2_w, (1, 0)).astype(_BF)
    f3 = fc3_w[0]

    nchunks = B // S
    full = lambda shp: pl.BlockSpec(shp, lambda i: (0,) * len(shp))
    outd, z = pl.pallas_call(
        _ab_body,
        grid=(nchunks,),
        in_specs=[
            pl.BlockSpec((S, T, F), lambda i: (i, 0, 0)),
            full((3, F, 512)), full((512,)),
            full((3, F, 512)), full((512,)),
            full((3, F, 512)), full((512,)),
            full((F, 512)),
            full((512, 256)), full((256,)),
            full((512, 256)), full((256,)),
            full((512, 256)), full((256,)),
            full((256, 512)), full((512,)),
        ],
        out_specs=[
            pl.BlockSpec((S, T, 1536), lambda i: (i, 0, 0)),
            pl.BlockSpec((S, T, 512), lambda i: (i, 0, 0)),
        ],
        out_shape=[
            jax.ShapeDtypeStruct((B, T, 1536), _BF),
            jax.ShapeDtypeStruct((B, T, 512), _BF),
        ],
    )(x, w1, c1_b, w2, c2_b, w3, c3_b, w4,
      gw, g_b, thw, th_b, phw, ph_b, ww, W_b)

    feat, norms, scores = pl.pallas_call(
        _c_body,
        grid=(nchunks,),
        in_specs=[
            pl.BlockSpec((S, T, 1536), lambda i: (i, 0, 0)),
            pl.BlockSpec((S, T, 512), lambda i: (i, 0, 0)),
            pl.BlockSpec((S, T, F), lambda i: (i, 0, 0)),
            full((3, 1536, F)), full((3, 512, F)), full((F,)),
            full((F, 512)), full((512,)),
            full((512, 128)), full((128,)),
            full((128,)), full((1,)),
        ],
        out_specs=[
            pl.BlockSpec((S, T, F), lambda i: (i, 0, 0)),
            pl.BlockSpec((1, S, T), lambda i: (i, 0, 0)),
            pl.BlockSpec((1, S, T), lambda i: (i, 0, 0)),
        ],
        out_shape=[
            jax.ShapeDtypeStruct((B, T, F), jnp.float32),
            jax.ShapeDtypeStruct((nchunks, S, T), jnp.float32),
            jax.ShapeDtypeStruct((nchunks, S, T), jnp.float32),
        ],
    )(outd, z, x, w5a, w5b, c5_b, f1, fc1_b, f2, fc2_b, f3, fc3_b)
    norms = norms.reshape(B, T)
    scores = scores.reshape(B, T)

    fm, x2, sab, sno, idx2d = pl.pallas_call(
        _d_body,
        grid=(1,),
        in_specs=[full((B, T)), full((B, T))],
        out_specs=[full((NV, T)), full((NV, T)),
                   full((NSIZE, 1)), full((NSIZE, 1)), full((NW, T))],
        out_shape=[
            jax.ShapeDtypeStruct((NV, T), jnp.float32),
            jax.ShapeDtypeStruct((NV, T), jnp.float32),
            jax.ShapeDtypeStruct((NSIZE, 1), jnp.float32),
            jax.ShapeDtypeStruct((NSIZE, 1), jnp.float32),
            jax.ShapeDtypeStruct((NW, T), jnp.int32),
        ],
    )(norms, scores)

    buf = _sc_gather(feat.reshape(B * T, F), idx2d)
    buf = buf.reshape(NW, T, F)[:, :RPW, :].reshape(NW * RPW, F)
    fsa = buf[:480].reshape(160, K, F)
    fsn = buf[480:].reshape(160, K, F)
    xout = x2[:, :, None]
    return (sab, sno, fsa, fsn, fsa, fsa, xout, fsa, fsa, fm)

# --- scband reference (transcript-rebuilt; emitter-appended) ---
"""Pipeline reference for scband-model-38714835206603 (READ-ONLY COPY).

The authoritative reference and input builder live on the scoring server;
editing this copy changes nothing except your own understanding.
"""

import jax, jax.numpy as jnp
import numpy as np

N_FEATURES = 2048
BATCH_SIZE = 16
NCROPS = 10
T = 32
NUM_SEGMENTS = 32
K_ABN = NUM_SEGMENTS // 10
K_NOR = NUM_SEGMENTS // 10

PARAM_SHAPES = {
    'c1_w': (512, 2048, 3), 'c1_b': (512,),
    'c2_w': (512, 2048, 3), 'c2_b': (512,),
    'c3_w': (512, 2048, 3), 'c3_b': (512,),
    'c4_w': (512, 2048, 1),
    'c5_w': (2048, 2048, 3), 'c5_b': (2048,),
    'g_w': (256, 512, 1), 'g_b': (256,),
    'th_w': (256, 512, 1), 'th_b': (256,),
    'ph_w': (256, 512, 1), 'ph_b': (256,),
    'W_w': (512, 256, 1), 'W_b': (512,),
    'fc1_w': (512, 2048), 'fc1_b': (512,),
    'fc2_w': (128, 512), 'fc2_b': (128,),
    'fc3_w': (1, 128), 'fc3_b': (1,),
}


def _conv1d(x, w, b=None, dilation=1, padding=0):
    out = jax.lax.conv_general_dilated(
        x, w, window_strides=(1,), padding=[(padding, padding)],
        rhs_dilation=(dilation,), dimension_numbers=('NCH', 'OIH', 'NCH'))
    if b is not None:
        out = out + b[None, :, None]
    return out


def _aggregate(x, p):
    # x: (B, T, F) -> (B, T, F). BatchNorm layers are identity at fresh init in eval mode.
    out = jnp.transpose(x, (0, 2, 1))
    residual = out
    out1 = jax.nn.relu(_conv1d(out, p['c1_w'], p['c1_b'], dilation=1, padding=1))
    out2 = jax.nn.relu(_conv1d(out, p['c2_w'], p['c2_b'], dilation=2, padding=2))
    out3 = jax.nn.relu(_conv1d(out, p['c3_w'], p['c3_b'], dilation=4, padding=4))
    out_d = jnp.concatenate([out1, out2, out3], axis=1)
    o4 = jax.nn.relu(_conv1d(out, p['c4_w'], None))
    # non-local block (embedded gaussian)
    g_x = jnp.transpose(_conv1d(o4, p['g_w'], p['g_b']), (0, 2, 1))
    th = jnp.transpose(_conv1d(o4, p['th_w'], p['th_b']), (0, 2, 1))
    ph = _conv1d(o4, p['ph_w'], p['ph_b'])
    att = jax.nn.softmax(jnp.matmul(th, ph), axis=-1)
    y = jnp.transpose(jnp.matmul(att, g_x), (0, 2, 1))
    z = _conv1d(y, p['W_w'], p['W_b']) + o4
    out = jnp.concatenate([out_d, z], axis=1)
    out = jax.nn.relu(_conv1d(out, p['c5_w'], p['c5_b'], padding=1))
    out = out + residual
    return jnp.transpose(out, (0, 2, 1))


def _forward(inputs, p):
    bs, ncrops, t, f = inputs.shape
    out = inputs.reshape(bs * ncrops, t, f)
    features = _aggregate(out, p)  # dropout = identity in eval mode
    x = jax.nn.relu(jnp.matmul(features, p['fc1_w'].T) + p['fc1_b'])
    x = jax.nn.relu(jnp.matmul(x, p['fc2_w'].T) + p['fc2_b'])
    x = jax.nn.sigmoid(jnp.matmul(x, p['fc3_w'].T) + p['fc3_b'])
    x = jnp.mean(x.reshape(bs, ncrops, -1), axis=1)[:, :, None]  # (bs, t, 1)
    normal_features = features[:BATCH_SIZE * 10]
    normal_scores = x[:BATCH_SIZE]
    abnormal_features = features[BATCH_SIZE * 10:]
    abnormal_scores = x[BATCH_SIZE:]
    feat_mag = jnp.linalg.norm(features, axis=2)
    feat_mag = jnp.mean(feat_mag.reshape(bs, ncrops, -1), axis=1)  # (bs, t)
    nfea_mag = feat_mag[:BATCH_SIZE]
    afea_mag = feat_mag[BATCH_SIZE:]
    n_size = nfea_mag.shape[0]
    # dropout on ones-mask is identity in eval mode
    _, idx_abn = jax.lax.top_k(afea_mag, K_ABN)  # (n_size, k)
    abn = abnormal_features.reshape(n_size, ncrops, t, f).transpose(1, 0, 2, 3)
    sel_abn = jnp.take_along_axis(abn, idx_abn[None, :, :, None], axis=2)
    feat_select_abn = sel_abn.reshape(ncrops * n_size, K_ABN, f)
    score_abnormal = jnp.mean(
        jnp.take_along_axis(abnormal_scores, idx_abn[:, :, None], axis=1), axis=1)
    _, idx_norm = jax.lax.top_k(nfea_mag, K_NOR)
    nrm = normal_features.reshape(n_size, ncrops, t, f).transpose(1, 0, 2, 3)
    sel_norm = jnp.take_along_axis(nrm, idx_norm[None, :, :, None], axis=2)
    feat_select_norm = sel_norm.reshape(ncrops * n_size, K_NOR, f)
    score_normal = jnp.mean(
        jnp.take_along_axis(normal_scores, idx_norm[:, :, None], axis=1), axis=1)
    return (score_abnormal, score_normal, feat_select_abn, feat_select_norm,
            feat_select_abn, feat_select_abn, x, feat_select_abn,
            feat_select_abn, feat_mag)


def setup_inputs(seed: int = 0) -> dict:
    key = jax.random.key(seed)
    inp = {'inputs': jax.random.normal(
        jax.random.fold_in(key, 0),
        (2 * BATCH_SIZE, NCROPS, T, N_FEATURES), dtype=jnp.float32)}
    for i, (name, shp) in enumerate(PARAM_SHAPES.items()):
        k = jax.random.fold_in(key, i + 1)
        inp[name] = jax.random.normal(k, shp, dtype=jnp.float32) * 0.02
    return inp


def reference(inputs, c1_w, c1_b, c2_w, c2_b, c3_w, c3_b, c4_w, c5_w, c5_b,
              g_w, g_b, th_w, th_b, ph_w, ph_b, W_w, W_b,
              fc1_w, fc1_b, fc2_w, fc2_b, fc3_w, fc3_b):
    params = {
        'c1_w': c1_w, 'c1_b': c1_b,
        'c2_w': c2_w, 'c2_b': c2_b,
        'c3_w': c3_w, 'c3_b': c3_b,
        'c4_w': c4_w,
        'c5_w': c5_w, 'c5_b': c5_b,
        'g_w': g_w, 'g_b': g_b,
        'th_w': th_w, 'th_b': th_b,
        'ph_w': ph_w, 'ph_b': ph_b,
        'W_w': W_w, 'W_b': W_b,
        'fc1_w': fc1_w, 'fc1_b': fc1_b,
        'fc2_w': fc2_w, 'fc2_b': fc2_b,
        'fc3_w': fc3_w, 'fc3_b': fc3_b,
    }
    return _forward(inputs, params)

if __name__ == "__main__":
    import jax
    _d = setup_inputs()
    print(jax.jit(kernel)(*tuple(_d.values())))

</pallas_src>

<mosaic_0001>
#map = affine_map<(d0, d1) -> (0, 0)>
module attributes {stable_mosaic.version = 14 : i64} {
  func.func @_sc_gather_body(%arg0: i32, %arg1: i32, %arg2: memref<10240x2048xf32, #tpu.memory_space<hbm>>, %arg3: memref<32x32xi32, #tpu.memory_space<hbm>>, %arg4: memref<1024x2048xf32, #tpu.memory_space<hbm>>, %arg5: memref<32xi32, #tpu.memory_space<vmem>>, %arg6: memref<32x2048xf32, #tpu.memory_space<vmem>>, %arg7: memref<!tpu.dma_semaphore, #tpu.memory_space<semaphore_mem>>) attributes {dimension_semantics = [#tpu.dimension_semantics<core_parallel>, #tpu.dimension_semantics<subcore_parallel>], iteration_bounds = array<i64: 2, 16>, scalar_prefetch = 0 : i64, scratch_operands = 3 : i64, tpu.core_type = #tpu.core_type<sc_vector_subcore>, window_params = [{transform_indices = #map}, {transform_indices = #map}, {transform_indices = #map}]} {
    %mul3A = arith.constant 2 : i32
    %mul3A_0 = arith.muli %arg1, %mul3A : i32
    %add3A = arith.addi %mul3A_0, %arg0 : i32
    "tpu.region"() ({
      %run_scoped3A = tpu.sem_alloc : memref<!tpu.dma_semaphore, #tpu.memory_space<semaphore_mem>>
      %dma_start3A_7 = arith.constant 0 : i32
      %dma_start3A_8 = tpu.memref_slice %arg3[%add3A, %dma_start3A_7] : memref<32x32xi32, #tpu.memory_space<hbm>> -> memref<1x32xi32, #tpu.memory_space<hbm>>
      %dma_start3A_9 = tpu.memref_squeeze %dma_start3A_8 : memref<1x32xi32, #tpu.memory_space<hbm>> -> memref<32xi32, #tpu.memory_space<hbm>>
      %dma_start3A_10 = arith.constant 0 : i32
      %dma_start3A_11 = tpu.memref_slice %arg3[%add3A, %dma_start3A_10] : memref<32x32xi32, #tpu.memory_space<hbm>> -> memref<1x32xi32, #tpu.memory_space<hbm>>
      %dma_start3A_12 = tpu.memref_squeeze %dma_start3A_11 : memref<1x32xi32, #tpu.memory_space<hbm>> -> memref<32xi32, #tpu.memory_space<hbm>>
      tpu.enqueue_dma source(%dma_start3A_12 : memref<32xi32, #tpu.memory_space<hbm>>) target(%arg5 : memref<32xi32, #tpu.memory_space<vmem>>) target_semaphore(%run_scoped3A : memref<!tpu.dma_semaphore, #tpu.memory_space<semaphore_mem>>)
      %dma_wait3A_13 = arith.constant 0 : i32
      %dma_wait3A_14 = tpu.memref_slice %arg3[%add3A, %dma_wait3A_13] : memref<32x32xi32, #tpu.memory_space<hbm>> -> memref<1x32xi32, #tpu.memory_space<hbm>>
      %dma_wait3A_15 = tpu.memref_squeeze %dma_wait3A_14 : memref<1x32xi32, #tpu.memory_space<hbm>> -> memref<32xi32, #tpu.memory_space<hbm>>
      %dma_wait3A_16 = arith.constant 0 : i32
      %dma_wait3A_17 = tpu.memref_slice %arg3[%add3A, %dma_wait3A_16] : memref<32x32xi32, #tpu.memory_space<hbm>> -> memref<1x32xi32, #tpu.memory_space<hbm>>
      %dma_wait3A_18 = tpu.memref_squeeze %dma_wait3A_17 : memref<1x32xi32, #tpu.memory_space<hbm>> -> memref<32xi32, #tpu.memory_space<hbm>>
      tpu.wait_dma2 semaphore(%run_scoped3A : memref<!tpu.dma_semaphore, #tpu.memory_space<semaphore_mem>>) src(%dma_wait3A_18 : memref<32xi32, #tpu.memory_space<hbm>>) dst(%arg5 : memref<32xi32, #tpu.memory_space<vmem>>)
      tpu.yield
    }) : () -> ()
    %dma_start3A = arith.constant 0 : i32
    %dma_start3A_1 = arith.constant 0 : i32
    %dma_start3A_2 = tpu.memref_slice %arg2[%dma_start3A, %dma_start3A_1] : memref<10240x2048xf32, #tpu.memory_space<hbm>> -> memref<10240x2048xf32, #tpu.memory_space<hbm>>
    tpu.enqueue_indirect_dma source(%dma_start3A_2 : memref<10240x2048xf32, #tpu.memory_space<hbm>>) target(%arg6 : memref<32x2048xf32, #tpu.memory_space<vmem>>) offsets(%arg5 : memref<32xi32, #tpu.memory_space<vmem>>) semaphore(%arg7 : memref<!tpu.dma_semaphore, #tpu.memory_space<semaphore_mem>>)
    %dma_wait3A = arith.constant 0 : i32
    %dma_wait3A_3 = arith.constant 0 : i32
    %dma_wait3A_4 = tpu.memref_slice %arg2[%dma_wait3A, %dma_wait3A_3] : memref<10240x2048xf32, #tpu.memory_space<hbm>> -> memref<10240x2048xf32, #tpu.memory_space<hbm>>
    tpu.wait_indirect_dma semaphore(%arg7 : memref<!tpu.dma_semaphore, #tpu.memory_space<semaphore_mem>>) src(%dma_wait3A_4 : memref<10240x2048xf32, #tpu.memory_space<hbm>>) dst(%arg6 : memref<32x2048xf32, #tpu.memory_space<vmem>>)
    %mul3A_5 = arith.constant 32 : i32
    %mul3A_6 = arith.muli %add3A, %mul3A_5 : i32
    "tpu.region"() ({
      %run_scoped3A = tpu.sem_alloc : memref<!tpu.dma_semaphore, #tpu.memory_space<semaphore_mem>>
      %dma_start3A_7 = arith.constant 0 : i32
      %dma_start3A_8 = tpu.memref_slice %arg4[%mul3A_6, %dma_start3A_7] : memref<1024x2048xf32, #tpu.memory_space<hbm>> -> memref<32x2048xf32, #tpu.memory_space<hbm>>
      %dma_start3A_9 = arith.constant 0 : i32
      %dma_start3A_10 = tpu.memref_slice %arg4[%mul3A_6, %dma_start3A_9] : memref<1024x2048xf32, #tpu.memory_space<hbm>> -> memref<32x2048xf32, #tpu.memory_space<hbm>>
      tpu.enqueue_dma source(%arg6 : memref<32x2048xf32, #tpu.memory_space<vmem>>) target(%dma_start3A_10 : memref<32x2048xf32, #tpu.memory_space<hbm>>) target_semaphore(%run_scoped3A : memref<!tpu.dma_semaphore, #tpu.memory_space<semaphore_mem>>)
      %dma_wait3A_11 = arith.constant 0 : i32
      %dma_wait3A_12 = tpu.memref_slice %arg4[%mul3A_6, %dma_wait3A_11] : memref<1024x2048xf32, #tpu.memory_space<hbm>> -> memref<32x2048xf32, #tpu.memory_space<hbm>>
      %dma_wait3A_13 = arith.constant 0 : i32
      %dma_wait3A_14 = tpu.memref_slice %arg4[%mul3A_6, %dma_wait3A_13] : memref<1024x2048xf32, #tpu.memory_space<hbm>> -> memref<32x2048xf32, #tpu.memory_space<hbm>>
      tpu.wait_dma2 semaphore(%run_scoped3A : memref<!tpu.dma_semaphore, #tpu.memory_space<semaphore_mem>>) src(%arg6 : memref<32x2048xf32, #tpu.memory_space<vmem>>) dst(%dma_wait3A_14 : memref<32x2048xf32, #tpu.memory_space<hbm>>)
      tpu.yield
    }) : () -> ()
    return
  }
}

module attributes {stable_mosaic.version = 14 : i64} {
  func.func @_c_body(%arg0: i32, %arg1: memref<8x32x1536xbf16, #tpu.memory_space<vmem>>, %arg2: memref<8x32x512xbf16, #tpu.memory_space<vmem>>, %arg3: memref<8x32x2048xf32, #tpu.memory_space<vmem>>, %arg4: memref<3x1536x2048xbf16, #tpu.memory_space<vmem>>, %arg5: memref<3x512x2048xbf16, #tpu.memory_space<vmem>>, %arg6: memref<2048xf32, #tpu.memory_space<vmem>>, %arg7: memref<2048x512xbf16, #tpu.memory_space<vmem>>, %arg8: memref<512xf32, #tpu.memory_space<vmem>>, %arg9: memref<512x128xbf16, #tpu.memory_space<vmem>>, %arg10: memref<128xf32, #tpu.memory_space<vmem>>, %arg11: memref<128xf32, #tpu.memory_space<vmem>>, %arg12: memref<1xf32, #tpu.memory_space<vmem>>, %arg13: memref<8x32x2048xf32, #tpu.memory_space<vmem>>, %arg14: memref<1x8x32xf32, #tpu.memory_space<vmem>>, %arg15: memref<1x8x32xf32, #tpu.memory_space<vmem>>) attributes {dimension_semantics = [#tpu.dimension_semantics<arbitrary>], iteration_bounds = array<i64: 40>, scalar_prefetch = 0 : i64, scratch_operands = 0 : i64, tpu.core_type = #tpu.core_type<tc>, window_params = [{transform_indices = @transform_0, window_bounds = array<i64: 8, 32, 1536>}, {transform_indices = @transform_1, window_bounds = array<i64: 8, 32, 512>}, {transform_indices = @transform_2, window_bounds = array<i64: 8, 32, 2048>}, {pipeline_mode = #tpu.pipeline_mode<synchronous>, transform_indices = @transform_3, window_bounds = array<i64: 3, 1536, 2048>}, {pipeline_mode = #tpu.pipeline_mode<synchronous>, transform_indices = @transform_4, window_bounds = array<i64: 3, 512, 2048>}, {pipeline_mode = #tpu.pipeline_mode<synchronous>, transform_indices = @transform_5, window_bounds = array<i64: 2048>}, {pipeline_mode = #tpu.pipeline_mode<synchronous>, transform_indices = @transform_6, window_bounds = array<i64: 2048, 512>}, {pipeline_mode = #tpu.pipeline_mode<synchronous>, transform_indices = @transform_7, window_bounds = array<i64: 512>}, {pipeline_mode = #tpu.pipeline_mode<synchronous>, transform_indices = @transform_8, window_bounds = array<i64: 512, 128>}, {pipeline_mode = #tpu.pipeline_mode<synchronous>, transform_indices = @transform_9, window_bounds = array<i64: 128>}, {pipeline_mode = #tpu.pipeline_mode<synchronous>, transform_indices = @transform_10, window_bounds = array<i64: 128>}, {pipeline_mode = #tpu.pipeline_mode<synchronous>, transform_indices = @transform_11, window_bounds = array<i64: 1>}, {transform_indices = @transform_12, window_bounds = array<i64: 8, 32, 2048>}, {transform_indices = @transform_13, window_bounds = array<i64: 1, 8, 32>}, {transform_indices = @transform_14, window_bounds = array<i64: 1, 8, 32>}]} {
    %get3A = arith.constant 0 : index
    %get3A_0 = arith.constant 0 : index
    %get3A_1 = arith.constant 0 : index
    %get3A_2 = vector.load %arg1[%get3A, %get3A_0, %get3A_1] : memref<8x32x1536xbf16, #tpu.memory_space<vmem>>, vector<8x32x1536xbf16>
    %get3A_3 = arith.constant 0 : index
    %get3A_4 = arith.constant 0 : index
    %get3A_5 = arith.constant 0 : index
    %get3A_6 = vector.load %arg2[%get3A_3, %get3A_4, %get3A_5] : memref<8x32x512xbf16, #tpu.memory_space<vmem>>, vector<8x32x512xbf16>
    %broadcast_in_dim3A = arith.constant 0.000000e+00 : bf16
    %broadcast_in_dim3A_7 = vector.broadcast %broadcast_in_dim3A : bf16 to vector<8x1x1536xbf16>
    %broadcast_in_dim3A_8 = arith.constant 0.000000e+00 : bf16
    %broadcast_in_dim3A_9 = vector.broadcast %broadcast_in_dim3A_8 : bf16 to vector<8x1x1536xbf16>
    %concatenate3A = tpu.concatenate %broadcast_in_dim3A_7, %get3A_2, %broadcast_in_dim3A_9 in 1 : vector<8x1x1536xbf16>, vector<8x32x1536xbf16>, vector<8x1x1536xbf16> -> vector<8x34x1536xbf16>
    %broadcast_in_dim3A_10 = arith.constant 0.000000e+00 : bf16
    %broadcast_in_dim3A_11 = vector.broadcast %broadcast_in_dim3A_10 : bf16 to vector<8x1x512xbf16>
    %broadcast_in_dim3A_12 = arith.constant 0.000000e+00 : bf16
    %broadcast_in_dim3A_13 = vector.broadcast %broadcast_in_dim3A_12 : bf16 to vector<8x1x512xbf16>
    %concatenate3A_14 = tpu.concatenate %broadcast_in_dim3A_11, %get3A_6, %broadcast_in_dim3A_13 in 1 : vector<8x1x512xbf16>, vector<8x32x512xbf16>, vector<8x1x512xbf16> -> vector<8x34x512xbf16>
    %get3A_15 = arith.constant 0 : index
    %get3A_16 = vector.load %arg6[%get3A_15] : memref<2048xf32, #tpu.memory_space<vmem>>, vector<2048xf32>
    %broadcast_in_dim3A_17 = vector.shape_cast %get3A_16 : vector<2048xf32> to vector<1x2048xf32>
    %broadcast_in_dim3A_18 = vector.shape_cast %broadcast_in_dim3A_17 : vector<1x2048xf32> to vector<1x2048xf32>
    %broadcast_in_dim3A_19 = vector.broadcast %broadcast_in_dim3A_18 : vector<1x2048xf32> to vector<256x2048xf32>
    %slice3A = vector.extract_strided_slice %concatenate3A {offsets = [0, 0, 0], sizes = [8, 32, 1536], strides = [1, 1, 1]} : vector<8x34x1536xbf16> to vector<8x32x1536xbf16>
    %reshape3A = vector.shape_cast %slice3A : vector<8x32x1536xbf16> to vector<256x1536xbf16>
    %slice3A_20 = vector.extract_strided_slice %concatenate3A_14 {offsets = [0, 0, 0], sizes = [8, 32, 512], strides = [1, 1, 1]} : vector<8x34x512xbf16> to vector<8x32x512xbf16>
    %reshape3A_21 = vector.shape_cast %slice3A_20 : vector<8x32x512xbf16> to vector<256x512xbf16>
    %get3A_22 = arith.constant 0 : index
    %get3A_23 = arith.constant 0 : index
    %get3A_24 = arith.constant 0 : index
    %get3A_25 = vector.load %arg4[%get3A_22, %get3A_23, %get3A_24] : memref<3x1536x2048xbf16, #tpu.memory_space<vmem>>, vector<1x1536x2048xbf16>
    %get3A_26 = vector.shape_cast %get3A_25 : vector<1x1536x2048xbf16> to vector<1536x2048xbf16>
    %dot_general3A = arith.constant dense<0.000000e+00> : vector<256x2048xf32>
    %dot_general3A_27 = tpu.matmul %reshape3A, %get3A_26, %dot_general3A {dimension_numbers = #tpu.dot_dimension_numbers<[1], [0], [0], [1], [0, 0, 1, 1], [], []>, transpose_lhs_hint = false} : vector<256x1536xbf16>, vector<1536x2048xbf16>, vector<256x2048xf32> -> vector<256x2048xf32>
    %add3A = arith.addf %broadcast_in_dim3A_19, %dot_general3A_27 : vector<256x2048xf32>
    %get3A_28 = arith.constant 0 : index
    %get3A_29 = arith.constant 0 : index
    %get3A_30 = arith.constant 0 : index
    %get3A_31 = vector.load %arg5[%get3A_28, %get3A_29, %get3A_30] : memref<3x512x2048xbf16, #tpu.memory_space<vmem>>, vector<1x512x2048xbf16>
    %get3A_32 = vector.shape_cast %get3A_31 : vector<1x512x2048xbf16> to vector<512x2048xbf16>
    %dot_general3A_33 = arith.constant dense<0.000000e+00> : vector<256x2048xf32>
    %dot_general3A_34 = tpu.matmul %reshape3A_21, %get3A_32, %dot_general3A_33 {dimension_numbers = #tpu.dot_dimension_numbers<[1], [0], [0], [1], [0, 0, 1, 1], [], []>, transpose_lhs_hint = false} : vector<256x512xbf16>, vector<512x2048xbf16>, vector<256x2048xf32> -> vector<256x2048xf32>
    %add3A_35 = arith.addf %add3A, %dot_general3A_34 : vector<256x2048xf32>
    %slice3A_36 = vector.extract_strided_slice %concatenate3A {offsets = [0, 1, 0], sizes = [8, 32, 1536], strides = [1, 1, 1]} : vector<8x34x1536xbf16> to vector<8x32x1536xbf16>
    %reshape3A_37 = vector.shape_cast %slice3A_36 : vector<8x32x1536xbf16> to vector<256x1536xbf16>
    %slice3A_38 = vector.extract_strided_slice %concatenate3A_14 {offsets = [0, 1, 0], sizes = [8, 32, 512], strides = [1, 1, 1]} : vector<8x34x512xbf16> to vector<8x32x512xbf16>
    %reshape3A_39 = vector.shape_cast %slice3A_38 : vector<8x32x512xbf16> to vector<256x512xbf16>
    %get3A_40 = arith.constant 1 : index
    %get3A_41 = arith.constant 0 : index
    %get3A_42 = arith.constant 0 : index
    %get3A_43 = vector.load %arg4[%get3A_40, %get3A_41, %get3A_42] : memref<3x1536x2048xbf16, #tpu.memory_space<vmem>>, vector<1x1536x2048xbf16>
    %get3A_44 = vector.shape_cast %get3A_43 : vector<1x1536x2048xbf16> to vector<1536x2048xbf16>
    %dot_general3A_45 = arith.constant dense<0.000000e+00> : vector<256x2048xf32>
    %dot_general3A_46 = tpu.matmul %reshape3A_37, %get3A_44, %dot_general3A_45 {dimension_numbers = #tpu.dot_dimension_numbers<[1], [0], [0], [1], [0, 0, 1, 1], [], []>, transpose_lhs_hint = false} : vector<256x1536xbf16>, vector<1536x2048xbf16>, vector<256x2048xf32> -> vector<256x2048xf32>
    %add3A_47 = arith.addf %add3A_35, %dot_general3A_46 : vector<256x2048xf32>
    %get3A_48 = arith.constant 1 : index
    %get3A_49 = arith.constant 0 : index
    %get3A_50 = arith.constant 0 : index
    %get3A_51 = vector.load %arg5[%get3A_48, %get3A_49, %get3A_50] : memref<3x512x2048xbf16, #tpu.memory_space<vmem>>, vector<1x512x2048xbf16>
    %get3A_52 = vector.shape_cast %get3A_51 : vector<1x512x2048xbf16> to vector<512x2048xbf16>
    %dot_general3A_53 = arith.constant dense<0.000000e+00> : vector<256x2048xf32>
    %dot_general3A_54 = tpu.matmul %reshape3A_39, %get3A_52, %dot_general3A_53 {dimension_numbers = #tpu.dot_dimension_numbers<[1], [0], [0], [1], [0, 0, 1, 1], [], []>, transpose_lhs_hint = false} : vector<256x512xbf16>, vector<512x2048xbf16>, vector<256x2048xf32> -> vector<256x2048xf32>
    %add3A_55 = arith.addf %add3A_47, %dot_general3A_54 : vector<256x2048xf32>
    %slice3A_56 = vector.extract_strided_slice %concatenate3A {offsets = [0, 2, 0], sizes = [8, 32, 1536], strides = [1, 1, 1]} : vector<8x34x1536xbf16> to vector<8x32x1536xbf16>
    %reshape3A_57 = vector.shape_cast %slice3A_56 : vector<8x32x1536xbf16> to vector<256x1536xbf16>
    %slice3A_58 = vector.extract_strided_slice %concatenate3A_14 {offsets = [0, 2, 0], sizes = [8, 32, 512], strides = [1, 1, 1]} : vector<8x34x512xbf16> to vector<8x32x512xbf16>
    %reshape3A_59 = vector.shape_cast %slice3A_58 : vector<8x32x512xbf16> to vector<256x512xbf16>
    %get3A_60 = arith.constant 2 : index
    %get3A_61 = arith.constant 0 : index
    %get3A_62 = arith.constant 0 : index
    %get3A_63 = vector.load %arg4[%get3A_60, %get3A_61, %get3A_62] : memref<3x1536x2048xbf16, #tpu.memory_space<vmem>>, vector<1x1536x2048xbf16>
    %get3A_64 = vector.shape_cast %get3A_63 : vector<1x1536x2048xbf16> to vector<1536x2048xbf16>
    %dot_general3A_65 = arith.constant dense<0.000000e+00> : vector<256x2048xf32>
    %dot_general3A_66 = tpu.matmul %reshape3A_57, %get3A_64, %dot_general3A_65 {dimension_numbers = #tpu.dot_dimension_numbers<[1], [0], [0], [1], [0, 0, 1, 1], [], []>, transpose_lhs_hint = false} : vector<256x1536xbf16>, vector<1536x2048xbf16>, vector<256x2048xf32> -> vector<256x2048xf32>
    %add3A_67 = arith.addf %add3A_55, %dot_general3A_66 : vector<256x2048xf32>
    %get3A_68 = arith.constant 2 : index
    %get3A_69 = arith.constant 0 : index
    %get3A_70 = arith.constant 0 : index
    %get3A_71 = vector.load %arg5[%get3A_68, %get3A_69, %get3A_70] : memref<3x512x2048xbf16, #tpu.memory_space<vmem>>, vector<1x512x2048xbf16>
    %get3A_72 = vector.shape_cast %get3A_71 : vector<1x512x2048xbf16> to vector<512x2048xbf16>
    %dot_general3A_73 = arith.constant dense<0.000000e+00> : vector<256x2048xf32>
    %dot_general3A_74 = tpu.matmul %reshape3A_59, %get3A_72, %dot_general3A_73 {dimension_numbers = #tpu.dot_dimension_numbers<[1], [0], [0], [1], [0, 0, 1, 1], [], []>, transpose_lhs_hint = false} : vector<256x512xbf16>, vector<512x2048xbf16>, vector<256x2048xf32> -> vector<256x2048xf32>
    %add3A_75 = arith.addf %add3A_67, %dot_general3A_74 : vector<256x2048xf32>
    %max3A = arith.constant 0.000000e+00 : f32
    %max3A_76 = vector.broadcast %max3A : f32 to vector<256x2048xf32>
    %max3A_77 = arith.maximumf %add3A_75, %max3A_76 : vector<256x2048xf32>
    %get3A_78 = arith.constant 0 : index
    %get3A_79 = arith.constant 0 : index
    %get3A_80 = arith.constant 0 : index
    %get3A_81 = vector.load %arg3[%get3A_78, %get3A_79, %get3A_80] : memref<8x32x2048xf32, #tpu.memory_space<vmem>>, vector<8x32x2048xf32>
    %reshape3A_82 = vector.shape_cast %get3A_81 : vector<8x32x2048xf32> to vector<256x2048xf32>
    %add3A_83 = arith.addf %max3A_77, %reshape3A_82 : vector<256x2048xf32>
    %reshape3A_84 = vector.shape_cast %add3A_83 : vector<256x2048xf32> to vector<8x32x2048xf32>
    %swap3A = arith.constant 0 : index
    %swap3A_85 = arith.constant 0 : index
    %swap3A_86 = arith.constant 0 : index
    %swap3A_87 = vector.load %arg13[%swap3A, %swap3A_85, %swap3A_86] : memref<8x32x2048xf32, #tpu.memory_space<vmem>>, vector<8x32x2048xf32>
    tpu.vector_store %arg13[%swap3A, %swap3A_85, %swap3A_86], %reshape3A_84 {strides = array<i32>} : memref<8x32x2048xf32, #tpu.memory_space<vmem>>, vector<8x32x2048xf32>,
    %mul3A = arith.mulf %add3A_83, %add3A_83 : vector<256x2048xf32>
    %reduce_sum3A = arith.constant dense<0.000000e+00> : vector<256xf32>
    %reduce_sum3A_88 = vector.multi_reduction <add>, %mul3A, %reduce_sum3A [1] : vector<256x2048xf32> to vector<256xf32>
    %sqrt3A = math.sqrt %reduce_sum3A_88 : vector<256xf32>
    %reshape3A_89 = vector.shape_cast %sqrt3A : vector<256xf32> to vector<1x8x32xf32>
    %swap3A_90 = arith.constant 0 : index
    %swap3A_91 = arith.constant 0 : index
    %swap3A_92 = arith.constant 0 : index
    %swap3A_93 = vector.load %arg14[%swap3A_90, %swap3A_91, %swap3A_92] : memref<1x8x32xf32, #tpu.memory_space<vmem>>, vector<1x8x32xf32>
    tpu.vector_store %arg14[%swap3A_90, %swap3A_91, %swap3A_92], %reshape3A_89 {strides = array<i32>} : memref<1x8x32xf32, #tpu.memory_space<vmem>>, vector<1x8x32xf32>,
    %convert_element_type3A = arith.truncf %add3A_83 : vector<256x2048xf32> to vector<256x2048xbf16>
    %get3A_94 = arith.constant 0 : index
    %get3A_95 = arith.constant 0 : index
    %get3A_96 = vector.load %arg7[%get3A_94, %get3A_95] : memref<2048x512xbf16, #tpu.memory_space<vmem>>, vector<2048x512xbf16>
    %dot_general3A_97 = arith.constant dense<0.000000e+00> : vector<256x512xf32>
    %dot_general3A_98 = tpu.matmul %convert_element_type3A, %get3A_96, %dot_general3A_97 {dimension_numbers = #tpu.dot_dimension_numbers<[1], [0], [0], [1], [0, 0, 1, 1], [], []>, transpose_lhs_hint = false} : vector<256x2048xbf16>, vector<2048x512xbf16>, vector<256x512xf32> -> vector<256x512xf32>
    %get3A_99 = arith.constant 0 : index
    %get3A_100 = vector.load %arg8[%get3A_99] : memref<512xf32, #tpu.memory_space<vmem>>, vector<512xf32>
    %broadcast_in_dim3A_101 = vector.shape_cast %get3A_100 : vector<512xf32> to vector<1x512xf32>
    %add3A_102 = vector.broadcast %broadcast_in_dim3A_101 : vector<1x512xf32> to vector<256x512xf32>
    %add3A_103 = arith.addf %dot_general3A_98, %add3A_102 : vector<256x512xf32>
    %max3A_104 = arith.constant 0.000000e+00 : f32
    %max3A_105 = vector.broadcast %max3A_104 : f32 to vector<256x512xf32>
    %max3A_106 = arith.maximumf %add3A_103, %max3A_105 : vector<256x512xf32>
    %convert_element_type3A_107 = arith.truncf %max3A_106 : vector<256x512xf32> to vector<256x512xbf16>
    %get3A_108 = arith.constant 0 : index
    %get3A_109 = arith.constant 0 : index
    %get3A_110 = vector.load %arg9[%get3A_108, %get3A_109] : memref<512x128xbf16, #tpu.memory_space<vmem>>, vector<512x128xbf16>
    %dot_general3A_111 = arith.constant dense<0.000000e+00> : vector<256x128xf32>
    %dot_general3A_112 = tpu.matmul %convert_element_type3A_107, %get3A_110, %dot_general3A_111 {dimension_numbers = #tpu.dot_dimension_numbers<[1], [0], [0], [1], [0, 0, 1, 1], [], []>, transpose_lhs_hint = false} : vector<256x512xbf16>, vector<512x128xbf16>, vector<256x128xf32> -> vector<256x128xf32>
    %get3A_113 = arith.constant 0 : index
    %get3A_114 = vector.load %arg10[%get3A_113] : memref<128xf32, #tpu.memory_space<vmem>>, vector<128xf32>
    %broadcast_in_dim3A_115 = vector.shape_cast %get3A_114 : vector<128xf32> to vector<1x128xf32>
    %add3A_116 = vector.broadcast %broadcast_in_dim3A_115 : vector<1x128xf32> to vector<256x128xf32>
    %add3A_117 = arith.addf %dot_general3A_112, %add3A_116 : vector<256x128xf32>
    %max3A_118 = arith.constant 0.000000e+00 : f32
    %max3A_119 = vector.broadcast %max3A_118 : f32 to vector<256x128xf32>
    %max3A_120 = arith.maximumf %add3A_117, %max3A_119 : vector<256x128xf32>
    %get3A_121 = arith.constant 0 : index
    %get3A_122 = vector.load %arg11[%get3A_121] : memref<128xf32, #tpu.memory_space<vmem>>, vector<128xf32>
    %broadcast_in_dim3A_123 = vector.shape_cast %get3A_122 : vector<128xf32> to vector<1x128xf32>
    %mul3A_124 = vector.broadcast %broadcast_in_dim3A_123 : vector<1x128xf32> to vector<256x128xf32>
    %mul3A_125 = arith.mulf %max3A_120, %mul3A_124 : vector<256x128xf32>
    %reduce_sum3A_126 = arith.constant dense<0.000000e+00> : vector<256xf32>
    %reduce_sum3A_127 = vector.multi_reduction <add>, %mul3A_125, %reduce_sum3A_126 [1] : vector<256x128xf32> to vector<256xf32>
    %get3A_128 = arith.constant 0 : index
    %get3A_129 = vector.load %arg12[%get3A_128] : memref<1xf32, #tpu.memory_space<vmem>>, vector<1xf32>
    %get3A_130 = vector.extract %get3A_129[0] : f32 from vector<1xf32>
    %add3A_131 = vector.broadcast %get3A_130 : f32 to vector<256xf32>
    %add3A_132 = arith.addf %reduce_sum3A_127, %add3A_131 : vector<256xf32>
    %logistic3A = arith.negf %add3A_132 : vector<256xf32>
    %logistic3A_133 = math.exp %logistic3A : vector<256xf32>
    %logistic3A_134 = arith.constant 1.000000e+00 : f32
    %logistic3A_135 = vector.broadcast %logistic3A_134 : f32 to vector<256xf32>
    %logistic3A_136 = arith.addf %logistic3A_135, %logistic3A_133 : vector<256xf32>
    %logistic3A_137 = arith.divf %logistic3A_135, %logistic3A_136 : vector<256xf32>
    %reshape3A_138 = vector.shape_cast %logistic3A_137 : vector<256xf32> to vector<1x8x32xf32>
    %swap3A_139 = arith.constant 0 : index
    %swap3A_140 = arith.constant 0 : index
    %swap3A_141 = arith.constant 0 : index
    %swap3A_142 = vector.load %arg15[%swap3A_139, %swap3A_140, %swap3A_141] : memref<1x8x32xf32, #tpu.memory_space<vmem>>, vector<1x8x32xf32>
    tpu.vector_store %arg15[%swap3A_139, %swap3A_140, %swap3A_141], %reshape3A_138 {strides = array<i32>} : memref<1x8x32xf32, #tpu.memory_space<vmem>>, vector<1x8x32xf32>,
    return
  }
  func.func @transform_0(%arg0: i32) -> (i32, i32, i32) {
    %c0_i32 = arith.constant 0 : i32
    %c0_i32_0 = arith.constant 0 : i32
    %c0_i32_1 = arith.constant 0 : i32
    return %arg0, %c0_i32, %c0_i32_0 : i32, i32, i32
  }
  func.func @transform_1(%arg0: i32) -> (i32, i32, i32) {
    %c0_i32 = arith.constant 0 : i32
    %c0_i32_0 = arith.constant 0 : i32
    %c0_i32_1 = arith.constant 0 : i32
    return %arg0, %c0_i32, %c0_i32_0 : i32, i32, i32
  }
  func.func @transform_2(%arg0: i32) -> (i32, i32, i32) {
    %c0_i32 = arith.constant 0 : i32
    %c0_i32_0 = arith.constant 0 : i32
    %c0_i32_1 = arith.constant 0 : i32
    return %arg0, %c0_i32, %c0_i32_0 : i32, i32, i32
  }
  func.func @transform_3(%arg0: i32) -> (i32, i32, i32) {
    %c0_i32 = arith.constant 0 : i32
    %c0_i32_0 = arith.constant 0 : i32
    %c0_i32_1 = arith.constant 0 : i32
    %c0_i32_2 = arith.constant 0 : i32
    return %c0_i32, %c0_i32_0, %c0_i32_1 : i32, i32, i32
  }
  func.func @transform_4(%arg0: i32) -> (i32, i32, i32) {
    %c0_i32 = arith.constant 0 : i32
    %c0_i32_0 = arith.constant 0 : i32
    %c0_i32_1 = arith.constant 0 : i32
    %c0_i32_2 = arith.constant 0 : i32
    return %c0_i32, %c0_i32_0, %c0_i32_1 : i32, i32, i32
  }
  func.func @transform_5(%arg0: i32) -> i32 {
    %c0_i32 = arith.constant 0 : i32
    %c0_i32_0 = arith.constant 0 : i32
    return %c0_i32 : i32
  }
  func.func @transform_6(%arg0: i32) -> (i32, i32) {
    %c0_i32 = arith.constant 0 : i32
    %c0_i32_0 = arith.constant 0 : i32
    %c0_i32_1 = arith.constant 0 : i32
    return %c0_i32, %c0_i32_0 : i32, i32
  }
  func.func @transform_7(%arg0: i32) -> i32 {
    %c0_i32 = arith.constant 0 : i32
    %c0_i32_0 = arith.constant 0 : i32
    return %c0_i32 : i32
  }
  func.func @transform_8(%arg0: i32) -> (i32, i32) {
    %c0_i32 = arith.constant 0 : i32
    %c0_i32_0 = arith.constant 0 : i32
    %c0_i32_1 = arith.constant 0 : i32
    return %c0_i32, %c0_i32_0 : i32, i32
  }
  func.func @transform_9(%arg0: i32) -> i32 {
    %c0_i32 = arith.constant 0 : i32
    %c0_i32_0 = arith.constant 0 : i32
    return %c0_i32 : i32
  }
  func.func @transform_10(%arg0: i32) -> i32 {
    %c0_i32 = arith.constant 0 : i32
    %c0_i32_0 = arith.constant 0 : i32
    return %c0_i32 : i32
  }
  func.func @transform_11(%arg0: i32) -> i32 {
    %c0_i32 = arith.constant 0 : i32
    %c0_i32_0 = arith.constant 0 : i32
    return %c0_i32 : i32
  }
  func.func @transform_12(%arg0: i32) -> (i32, i32, i32) {
    %c0_i32 = arith.constant 0 : i32
    %c0_i32_0 = arith.constant 0 : i32
    %c0_i32_1 = arith.constant 0 : i32
    return %arg0, %c0_i32, %c0_i32_0 : i32, i32, i32
  }
  func.func @transform_13(%arg0: i32) -> (i32, i32, i32) {
    %c0_i32 = arith.constant 0 : i32
    %c0_i32_0 = arith.constant 0 : i32
    %c0_i32_1 = arith.constant 0 : i32
    return %arg0, %c0_i32, %c0_i32_0 : i32, i32, i32
  }
  func.func @transform_14(%arg0: i32) -> (i32, i32, i32) {
    %c0_i32 = arith.constant 0 : i32
    %c0_i32_0 = arith.constant 0 : i32
    %c0_i32_1 = arith.constant 0 : i32
    return %arg0, %c0_i32, %c0_i32_0 : i32, i32, i32
  }
}

module attributes {stable_mosaic.version = 14 : i64} {
  func.func @_ab_body(%arg0: i32, %arg1: memref<8x32x2048xf32, #tpu.memory_space<vmem>>, %arg2: memref<3x2048x512xbf16, #tpu.memory_space<vmem>>, %arg3: memref<512xf32, #tpu.memory_space<vmem>>, %arg4: memref<3x2048x512xbf16, #tpu.memory_space<vmem>>, %arg5: memref<512xf32, #tpu.memory_space<vmem>>, %arg6: memref<3x2048x512xbf16, #tpu.memory_space<vmem>>, %arg7: memref<512xf32, #tpu.memory_space<vmem>>, %arg8: memref<2048x512xbf16, #tpu.memory_space<vmem>>, %arg9: memref<512x256xbf16, #tpu.memory_space<vmem>>, %arg10: memref<256xf32, #tpu.memory_space<vmem>>, %arg11: memref<512x256xbf16, #tpu.memory_space<vmem>>, %arg12: memref<256xf32, #tpu.memory_space<vmem>>, %arg13: memref<512x256xbf16, #tpu.memory_space<vmem>>, %arg14: memref<256xf32, #tpu.memory_space<vmem>>, %arg15: memref<256x512xbf16, #tpu.memory_space<vmem>>, %arg16: memref<512xf32, #tpu.memory_space<vmem>>, %arg17: memref<8x32x1536xbf16, #tpu.memory_space<vmem>>, %arg18: memref<8x32x512xbf16, #tpu.memory_space<vmem>>) attributes {dimension_semantics = [#tpu.dimension_semantics<arbitrary>], iteration_bounds = array<i64: 40>, scalar_prefetch = 0 : i64, scratch_operands = 0 : i64, tpu.core_type = #tpu.core_type<tc>, window_params = [{transform_indices = @transform_0, window_bounds = array<i64: 8, 32, 2048>}, {pipeline_mode = #tpu.pipeline_mode<synchronous>, transform_indices = @transform_1, window_bounds = array<i64: 3, 2048, 512>}, {pipeline_mode = #tpu.pipeline_mode<synchronous>, transform_indices = @transform_2, window_bounds = array<i64: 512>}, {pipeline_mode = #tpu.pipeline_mode<synchronous>, transform_indices = @transform_3, window_bounds = array<i64: 3, 2048, 512>}, {pipeline_mode = #tpu.pipeline_mode<synchronous>, transform_indices = @transform_4, window_bounds = array<i64: 512>}, {pipeline_mode = #tpu.pipeline_mode<synchronous>, transform_indices = @transform_5, window_bounds = array<i64: 3, 2048, 512>}, {pipeline_mode = #tpu.pipeline_mode<synchronous>, transform_indices = @transform_6, window_bounds = array<i64: 512>}, {pipeline_mode = #tpu.pipeline_mode<synchronous>, transform_indices = @transform_7, window_bounds = array<i64: 2048, 512>}, {pipeline_mode = #tpu.pipeline_mode<synchronous>, transform_indices = @transform_8, window_bounds = array<i64: 512, 256>}, {pipeline_mode = #tpu.pipeline_mode<synchronous>, transform_indices = @transform_9, window_bounds = array<i64: 256>}, {pipeline_mode = #tpu.pipeline_mode<synchronous>, transform_indices = @transform_10, window_bounds = array<i64: 512, 256>}, {pipeline_mode = #tpu.pipeline_mode<synchronous>, transform_indices = @transform_11, window_bounds = array<i64: 256>}, {pipeline_mode = #tpu.pipeline_mode<synchronous>, transform_indices = @transform_12, window_bounds = array<i64: 512, 256>}, {pipeline_mode = #tpu.pipeline_mode<synchronous>, transform_indices = @transform_13, window_bounds = array<i64: 256>}, {pipeline_mode = #tpu.pipeline_mode<synchronous>, transform_indices = @transform_14, window_bounds = array<i64: 256, 512>}, {pipeline_mode = #tpu.pipeline_mode<synchronous>, transform_indices = @transform_15, window_bounds = array<i64: 512>}, {transform_indices = @transform_16, window_bounds = array<i64: 8, 32, 1536>}, {transform_indices = @transform_17, window_bounds = array<i64: 8, 32, 512>}]} {
    %get3A = arith.constant 0 : index
    %get3A_0 = arith.constant 0 : index
    %get3A_1 = arith.constant 0 : index
    %get3A_2 = vector.load %arg1[%get3A, %get3A_0, %get3A_1] : memref<8x32x2048xf32, #tpu.memory_space<vmem>>, vector<8x32x2048xf32>
    %convert_element_type3A = arith.truncf %get3A_2 : vector<8x32x2048xf32> to vector<8x32x2048xbf16>
    %broadcast_in_dim3A = arith.constant 0.000000e+00 : bf16
    %broadcast_in_dim3A_3 = vector.broadcast %broadcast_in_dim3A : bf16 to vector<8x4x2048xbf16>
    %concatenate3A = tpu.concatenate %broadcast_in_dim3A_3, %convert_element_type3A, %broadcast_in_dim3A_3 in 1 : vector<8x4x2048xbf16>, vector<8x32x2048xbf16>, vector<8x4x2048xbf16> -> vector<8x40x2048xbf16>
    %reshape3A = vector.shape_cast %convert_element_type3A : vector<8x32x2048xbf16> to vector<256x2048xbf16>
    %get3A_4 = arith.constant 0 : index
    %get3A_5 = vector.load %arg3[%get3A_4] : memref<512xf32, #tpu.memory_space<vmem>>, vector<512xf32>
    %broadcast_in_dim3A_6 = vector.shape_cast %get3A_5 : vector<512xf32> to vector<1x512xf32>
    %broadcast_in_dim3A_7 = vector.shape_cast %broadcast_in_dim3A_6 : vector<1x512xf32> to vector<1x512xf32>
    %broadcast_in_dim3A_8 = vector.broadcast %broadcast_in_dim3A_7 : vector<1x512xf32> to vector<256x512xf32>
    %slice3A = vector.extract_strided_slice %concatenate3A {offsets = [0, 3, 0], sizes = [8, 32, 2048], strides = [1, 1, 1]} : vector<8x40x2048xbf16> to vector<8x32x2048xbf16>
    %reshape3A_9 = vector.shape_cast %slice3A : vector<8x32x2048xbf16> to vector<256x2048xbf16>
    %get3A_10 = arith.constant 0 : index
    %get3A_11 = arith.constant 0 : index
    %get3A_12 = arith.constant 0 : index
    %get3A_13 = vector.load %arg2[%get3A_10, %get3A_11, %get3A_12] : memref<3x2048x512xbf16, #tpu.memory_space<vmem>>, vector<1x2048x512xbf16>
    %get3A_14 = vector.shape_cast %get3A_13 : vector<1x2048x512xbf16> to vector<2048x512xbf16>
    %dot_general3A = arith.constant dense<0.000000e+00> : vector<256x512xf32>
    %dot_general3A_15 = tpu.matmul %reshape3A_9, %get3A_14, %dot_general3A {dimension_numbers = #tpu.dot_dimension_numbers<[1], [0], [0], [1], [0, 0, 1, 1], [], []>, transpose_lhs_hint = false} : vector<256x2048xbf16>, vector<2048x512xbf16>, vector<256x512xf32> -> vector<256x512xf32>
    %add3A = arith.addf %broadcast_in_dim3A_8, %dot_general3A_15 : vector<256x512xf32>
    %slice3A_16 = vector.extract_strided_slice %concatenate3A {offsets = [0, 4, 0], sizes = [8, 32, 2048], strides = [1, 1, 1]} : vector<8x40x2048xbf16> to vector<8x32x2048xbf16>
    %reshape3A_17 = vector.shape_cast %slice3A_16 : vector<8x32x2048xbf16> to vector<256x2048xbf16>
    %get3A_18 = arith.constant 1 : index
    %get3A_19 = arith.constant 0 : index
    %get3A_20 = arith.constant 0 : index
    %get3A_21 = vector.load %arg2[%get3A_18, %get3A_19, %get3A_20] : memref<3x2048x512xbf16, #tpu.memory_space<vmem>>, vector<1x2048x512xbf16>
    %get3A_22 = vector.shape_cast %get3A_21 : vector<1x2048x512xbf16> to vector<2048x512xbf16>
    %dot_general3A_23 = arith.constant dense<0.000000e+00> : vector<256x512xf32>
    %dot_general3A_24 = tpu.matmul %reshape3A_17, %get3A_22, %dot_general3A_23 {dimension_numbers = #tpu.dot_dimension_numbers<[1], [0], [0], [1], [0, 0, 1, 1], [], []>, transpose_lhs_hint = false} : vector<256x2048xbf16>, vector<2048x512xbf16>, vector<256x512xf32> -> vector<256x512xf32>
    %add3A_25 = arith.addf %add3A, %dot_general3A_24 : vector<256x512xf32>
    %slice3A_26 = vector.extract_strided_slice %concatenate3A {offsets = [0, 5, 0], sizes = [8, 32, 2048], strides = [1, 1, 1]} : vector<8x40x2048xbf16> to vector<8x32x2048xbf16>
    %reshape3A_27 = vector.shape_cast %slice3A_26 : vector<8x32x2048xbf16> to vector<256x2048xbf16>
    %get3A_28 = arith.constant 2 : index
    %get3A_29 = arith.constant 0 : index
    %get3A_30 = arith.constant 0 : index
    %get3A_31 = vector.load %arg2[%get3A_28, %get3A_29, %get3A_30] : memref<3x2048x512xbf16, #tpu.memory_space<vmem>>, vector<1x2048x512xbf16>
    %get3A_32 = vector.shape_cast %get3A_31 : vector<1x2048x512xbf16> to vector<2048x512xbf16>
    %dot_general3A_33 = arith.constant dense<0.000000e+00> : vector<256x512xf32>
    %dot_general3A_34 = tpu.matmul %reshape3A_27, %get3A_32, %dot_general3A_33 {dimension_numbers = #tpu.dot_dimension_numbers<[1], [0], [0], [1], [0, 0, 1, 1], [], []>, transpose_lhs_hint = false} : vector<256x2048xbf16>, vector<2048x512xbf16>, vector<256x512xf32> -> vector<256x512xf32>
    %add3A_35 = arith.addf %add3A_25, %dot_general3A_34 : vector<256x512xf32>
    %max3A = arith.constant 0.000000e+00 : f32
    %max3A_36 = vector.broadcast %max3A : f32 to vector<256x512xf32>
    %max3A_37 = arith.maximumf %add3A_35, %max3A_36 : vector<256x512xf32>
    %convert_element_type3A_38 = arith.truncf %max3A_37 : vector<256x512xf32> to vector<256x512xbf16>
    %reshape3A_39 = vector.shape_cast %convert_element_type3A_38 : vector<256x512xbf16> to vector<8x32x512xbf16>
    %swap3A = arith.constant 0 : index
    %swap3A_40 = arith.constant 0 : index
    %swap3A_41 = arith.constant 0 : index
    %swap3A_42 = vector.load %arg17[%swap3A, %swap3A_40, %swap3A_41] : memref<8x32x1536xbf16, #tpu.memory_space<vmem>>, vector<8x32x512xbf16>
    tpu.vector_store %arg17[%swap3A, %swap3A_40, %swap3A_41], %reshape3A_39 {strides = array<i32>} : memref<8x32x1536xbf16, #tpu.memory_space<vmem>>, vector<8x32x512xbf16>,
    %get3A_43 = arith.constant 0 : index
    %get3A_44 = vector.load %arg5[%get3A_43] : memref<512xf32, #tpu.memory_space<vmem>>, vector<512xf32>
    %broadcast_in_dim3A_45 = vector.shape_cast %get3A_44 : vector<512xf32> to vector<1x512xf32>
    %broadcast_in_dim3A_46 = vector.shape_cast %broadcast_in_dim3A_45 : vector<1x512xf32> to vector<1x512xf32>
    %broadcast_in_dim3A_47 = vector.broadcast %broadcast_in_dim3A_46 : vector<1x512xf32> to vector<256x512xf32>
    %slice3A_48 = vector.extract_strided_slice %concatenate3A {offsets = [0, 2, 0], sizes = [8, 32, 2048], strides = [1, 1, 1]} : vector<8x40x2048xbf16> to vector<8x32x2048xbf16>
    %reshape3A_49 = vector.shape_cast %slice3A_48 : vector<8x32x2048xbf16> to vector<256x2048xbf16>
    %get3A_50 = arith.constant 0 : index
    %get3A_51 = arith.constant 0 : index
    %get3A_52 = arith.constant 0 : index
    %get3A_53 = vector.load %arg4[%get3A_50, %get3A_51, %get3A_52] : memref<3x2048x512xbf16, #tpu.memory_space<vmem>>, vector<1x2048x512xbf16>
    %get3A_54 = vector.shape_cast %get3A_53 : vector<1x2048x512xbf16> to vector<2048x512xbf16>
    %dot_general3A_55 = arith.constant dense<0.000000e+00> : vector<256x512xf32>
    %dot_general3A_56 = tpu.matmul %reshape3A_49, %get3A_54, %dot_general3A_55 {dimension_numbers = #tpu.dot_dimension_numbers<[1], [0], [0], [1], [0, 0, 1, 1], [], []>, transpose_lhs_hint = false} : vector<256x2048xbf16>, vector<2048x512xbf16>, vector<256x512xf32> -> vector<256x512xf32>
    %add3A_57 = arith.addf %broadcast_in_dim3A_47, %dot_general3A_56 : vector<256x512xf32>
    %slice3A_58 = vector.extract_strided_slice %concatenate3A {offsets = [0, 4, 0], sizes = [8, 32, 2048], strides = [1, 1, 1]} : vector<8x40x2048xbf16> to vector<8x32x2048xbf16>
    %reshape3A_59 = vector.shape_cast %slice3A_58 : vector<8x32x2048xbf16> to vector<256x2048xbf16>
    %get3A_60 = arith.constant 1 : index
    %get3A_61 = arith.constant 0 : index
    %get3A_62 = arith.constant 0 : index
    %get3A_63 = vector.load %arg4[%get3A_60, %get3A_61, %get3A_62] : memref<3x2048x512xbf16, #tpu.memory_space<vmem>>, vector<1x2048x512xbf16>
    %get3A_64 = vector.shape_cast %get3A_63 : vector<1x2048x512xbf16> to vector<2048x512xbf16>
    %dot_general3A_65 = arith.constant dense<0.000000e+00> : vector<256x512xf32>
    %dot_general3A_66 = tpu.matmul %reshape3A_59, %get3A_64, %dot_general3A_65 {dimension_numbers = #tpu.dot_dimension_numbers<[1], [0], [0], [1], [0, 0, 1, 1], [], []>, transpose_lhs_hint = false} : vector<256x2048xbf16>, vector<2048x512xbf16>, vector<256x512xf32> -> vector<256x512xf32>
    %add3A_67 = arith.addf %add3A_57, %dot_general3A_66 : vector<256x512xf32>
    %slice3A_68 = vector.extract_strided_slice %concatenate3A {offsets = [0, 6, 0], sizes = [8, 32, 2048], strides = [1, 1, 1]} : vector<8x40x2048xbf16> to vector<8x32x2048xbf16>
    %reshape3A_69 = vector.shape_cast %slice3A_68 : vector<8x32x2048xbf16> to vector<256x2048xbf16>
    %get3A_70 = arith.constant 2 : index
    %get3A_71 = arith.constant 0 : index
    %get3A_72 = arith.constant 0 : index
    %get3A_73 = vector.load %arg4[%get3A_70, %get3A_71, %get3A_72] : memref<3x2048x512xbf16, #tpu.memory_space<vmem>>, vector<1x2048x512xbf16>
    %get3A_74 = vector.shape_cast %get3A_73 : vector<1x2048x512xbf16> to vector<2048x512xbf16>
    %dot_general3A_75 = arith.constant dense<0.000000e+00> : vector<256x512xf32>
    %dot_general3A_76 = tpu.matmul %reshape3A_69, %get3A_74, %dot_general3A_75 {dimension_numbers = #tpu.dot_dimension_numbers<[1], [0], [0], [1], [0, 0, 1, 1], [], []>, transpose_lhs_hint = false} : vector<256x2048xbf16>, vector<2048x512xbf16>, vector<256x512xf32> -> vector<256x512xf32>
    %add3A_77 = arith.addf %add3A_67, %dot_general3A_76 : vector<256x512xf32>
    %max3A_78 = arith.constant 0.000000e+00 : f32
    %max3A_79 = vector.broadcast %max3A_78 : f32 to vector<256x512xf32>
    %max3A_80 = arith.maximumf %add3A_77, %max3A_79 : vector<256x512xf32>
    %convert_element_type3A_81 = arith.truncf %max3A_80 : vector<256x512xf32> to vector<256x512xbf16>
    %reshape3A_82 = vector.shape_cast %convert_element_type3A_81 : vector<256x512xbf16> to vector<8x32x512xbf16>
    %swap3A_83 = arith.constant 0 : index
    %swap3A_84 = arith.constant 0 : index
    %swap3A_85 = arith.constant 512 : index
    %swap3A_86 = vector.load %arg17[%swap3A_83, %swap3A_84, %swap3A_85] : memref<8x32x1536xbf16, #tpu.memory_space<vmem>>, vector<8x32x512xbf16>
    tpu.vector_store %arg17[%swap3A_83, %swap3A_84, %swap3A_85], %reshape3A_82 {strides = array<i32>} : memref<8x32x1536xbf16, #tpu.memory_space<vmem>>, vector<8x32x512xbf16>,
    %get3A_87 = arith.constant 0 : index
    %get3A_88 = vector.load %arg7[%get3A_87] : memref<512xf32, #tpu.memory_space<vmem>>, vector<512xf32>
    %broadcast_in_dim3A_89 = vector.shape_cast %get3A_88 : vector<512xf32> to vector<1x512xf32>
    %broadcast_in_dim3A_90 = vector.shape_cast %broadcast_in_dim3A_89 : vector<1x512xf32> to vector<1x512xf32>
    %broadcast_in_dim3A_91 = vector.broadcast %broadcast_in_dim3A_90 : vector<1x512xf32> to vector<256x512xf32>
    %slice3A_92 = vector.extract_strided_slice %concatenate3A {offsets = [0, 0, 0], sizes = [8, 32, 2048], strides = [1, 1, 1]} : vector<8x40x2048xbf16> to vector<8x32x2048xbf16>
    %reshape3A_93 = vector.shape_cast %slice3A_92 : vector<8x32x2048xbf16> to vector<256x2048xbf16>
    %get3A_94 = arith.constant 0 : index
    %get3A_95 = arith.constant 0 : index
    %get3A_96 = arith.constant 0 : index
    %get3A_97 = vector.load %arg6[%get3A_94, %get3A_95, %get3A_96] : memref<3x2048x512xbf16, #tpu.memory_space<vmem>>, vector<1x2048x512xbf16>
    %get3A_98 = vector.shape_cast %get3A_97 : vector<1x2048x512xbf16> to vector<2048x512xbf16>
    %dot_general3A_99 = arith.constant dense<0.000000e+00> : vector<256x512xf32>
    %dot_general3A_100 = tpu.matmul %reshape3A_93, %get3A_98, %dot_general3A_99 {dimension_numbers = #tpu.dot_dimension_numbers<[1], [0], [0], [1], [0, 0, 1, 1], [], []>, transpose_lhs_hint = false} : vector<256x2048xbf16>, vector<2048x512xbf16>, vector<256x512xf32> -> vector<256x512xf32>
    %add3A_101 = arith.addf %broadcast_in_dim3A_91, %dot_general3A_100 : vector<256x512xf32>
    %slice3A_102 = vector.extract_strided_slice %concatenate3A {offsets = [0, 4, 0], sizes = [8, 32, 2048], strides = [1, 1, 1]} : vector<8x40x2048xbf16> to vector<8x32x2048xbf16>
    %reshape3A_103 = vector.shape_cast %slice3A_102 : vector<8x32x2048xbf16> to vector<256x2048xbf16>
    %get3A_104 = arith.constant 1 : index
    %get3A_105 = arith.constant 0 : index
    %get3A_106 = arith.constant 0 : index
    %get3A_107 = vector.load %arg6[%get3A_104, %get3A_105, %get3A_106] : memref<3x2048x512xbf16, #tpu.memory_space<vmem>>, vector<1x2048x512xbf16>
    %get3A_108 = vector.shape_cast %get3A_107 : vector<1x2048x512xbf16> to vector<2048x512xbf16>
    %dot_general3A_109 = arith.constant dense<0.000000e+00> : vector<256x512xf32>
    %dot_general3A_110 = tpu.matmul %reshape3A_103, %get3A_108, %dot_general3A_109 {dimension_numbers = #tpu.dot_dimension_numbers<[1], [0], [0], [1], [0, 0, 1, 1], [], []>, transpose_lhs_hint = false} : vector<256x2048xbf16>, vector<2048x512xbf16>, vector<256x512xf32> -> vector<256x512xf32>
    %add3A_111 = arith.addf %add3A_101, %dot_general3A_110 : vector<256x512xf32>
    %slice3A_112 = vector.extract_strided_slice %concatenate3A {offsets = [0, 8, 0], sizes = [8, 32, 2048], strides = [1, 1, 1]} : vector<8x40x2048xbf16> to vector<8x32x2048xbf16>
    %reshape3A_113 = vector.shape_cast %slice3A_112 : vector<8x32x2048xbf16> to vector<256x2048xbf16>
    %get3A_114 = arith.constant 2 : index
    %get3A_115 = arith.constant 0 : index
    %get3A_116 = arith.constant 0 : index
    %get3A_117 = vector.load %arg6[%get3A_114, %get3A_115, %get3A_116] : memref<3x2048x512xbf16, #tpu.memory_space<vmem>>, vector<1x2048x512xbf16>
    %get3A_118 = vector.shape_cast %get3A_117 : vector<1x2048x512xbf16> to vector<2048x512xbf16>
    %dot_general3A_119 = arith.constant dense<0.000000e+00> : vector<256x512xf32>
    %dot_general3A_120 = tpu.matmul %reshape3A_113, %get3A_118, %dot_general3A_119 {dimension_numbers = #tpu.dot_dimension_numbers<[1], [0], [0], [1], [0, 0, 1, 1], [], []>, transpose_lhs_hint = false} : vector<256x2048xbf16>, vector<2048x512xbf16>, vector<256x512xf32> -> vector<256x512xf32>
    %add3A_121 = arith.addf %add3A_111, %dot_general3A_120 : vector<256x512xf32>
    %max3A_122 = arith.constant 0.000000e+00 : f32
    %max3A_123 = vector.broadcast %max3A_122 : f32 to vector<256x512xf32>
    %max3A_124 = arith.maximumf %add3A_121, %max3A_123 : vector<256x512xf32>
    %convert_element_type3A_125 = arith.truncf %max3A_124 : vector<256x512xf32> to vector<256x512xbf16>
    %reshape3A_126 = vector.shape_cast %convert_element_type3A_125 : vector<256x512xbf16> to vector<8x32x512xbf16>
    %swap3A_127 = arith.constant 0 : index
    %swap3A_128 = arith.constant 0 : index
    %swap3A_129 = arith.constant 1024 : index
    %swap3A_130 = vector.load %arg17[%swap3A_127, %swap3A_128, %swap3A_129] : memref<8x32x1536xbf16, #tpu.memory_space<vmem>>, vector<8x32x512xbf16>
    tpu.vector_store %arg17[%swap3A_127, %swap3A_128, %swap3A_129], %reshape3A_126 {strides = array<i32>} : memref<8x32x1536xbf16, #tpu.memory_space<vmem>>, vector<8x32x512xbf16>,
    %get3A_131 = arith.constant 0 : index
    %get3A_132 = arith.constant 0 : index
    %get3A_133 = vector.load %arg8[%get3A_131, %get3A_132] : memref<2048x512xbf16, #tpu.memory_space<vmem>>, vector<2048x512xbf16>
    %dot_general3A_134 = arith.constant dense<0.000000e+00> : vector<256x512xf32>
    %dot_general3A_135 = tpu.matmul %reshape3A, %get3A_133, %dot_general3A_134 {dimension_numbers = #tpu.dot_dimension_numbers<[1], [0], [0], [1], [0, 0, 1, 1], [], []>, transpose_lhs_hint = false} : vector<256x2048xbf16>, vector<2048x512xbf16>, vector<256x512xf32> -> vector<256x512xf32>
    %max3A_136 = arith.constant 0.000000e+00 : f32
    %max3A_137 = vector.broadcast %max3A_136 : f32 to vector<256x512xf32>
    %max3A_138 = arith.maximumf %dot_general3A_135, %max3A_137 : vector<256x512xf32>
    %convert_element_type3A_139 = arith.truncf %max3A_138 : vector<256x512xf32> to vector<256x512xbf16>
    %get3A_140 = arith.constant 0 : index
    %get3A_141 = arith.constant 0 : index
    %get3A_142 = vector.load %arg9[%get3A_140, %get3A_141] : memref<512x256xbf16, #tpu.memory_space<vmem>>, vector<512x256xbf16>
    %dot_general3A_143 = arith.constant dense<0.000000e+00> : vector<256x256xf32>
    %dot_general3A_144 = tpu.matmul %convert_element_type3A_139, %get3A_142, %dot_general3A_143 {dimension_numbers = #tpu.dot_dimension_numbers<[1], [0], [0], [1], [0, 0, 1, 1], [], []>, transpose_lhs_hint = false} : vector<256x512xbf16>, vector<512x256xbf16>, vector<256x256xf32> -> vector<256x256xf32>
    %get3A_145 = arith.constant 0 : index
    %get3A_146 = vector.load %arg10[%get3A_145] : memref<256xf32, #tpu.memory_space<vmem>>, vector<256xf32>
    %broadcast_in_dim3A_147 = vector.shape_cast %get3A_146 : vector<256xf32> to vector<1x256xf32>
    %add3A_148 = vector.broadcast %broadcast_in_dim3A_147 : vector<1x256xf32> to vector<256x256xf32>
    %add3A_149 = arith.addf %dot_general3A_144, %add3A_148 : vector<256x256xf32>
    %get3A_150 = arith.constant 0 : index
    %get3A_151 = arith.constant 0 : index
    %get3A_152 = vector.load %arg11[%get3A_150, %get3A_151] : memref<512x256xbf16, #tpu.memory_space<vmem>>, vector<512x256xbf16>
    %dot_general3A_153 = arith.constant dense<0.000000e+00> : vector<256x256xf32>
    %dot_general3A_154 = tpu.matmul %convert_element_type3A_139, %get3A_152, %dot_general3A_153 {dimension_numbers = #tpu.dot_dimension_numbers<[1], [0], [0], [1], [0, 0, 1, 1], [], []>, transpose_lhs_hint = false} : vector<256x512xbf16>, vector<512x256xbf16>, vector<256x256xf32> -> vector<256x256xf32>
    %get3A_155 = arith.constant 0 : index
    %get3A_156 = vector.load %arg12[%get3A_155] : memref<256xf32, #tpu.memory_space<vmem>>, vector<256xf32>
    %broadcast_in_dim3A_157 = vector.shape_cast %get3A_156 : vector<256xf32> to vector<1x256xf32>
    %add3A_158 = vector.broadcast %broadcast_in_dim3A_157 : vector<1x256xf32> to vector<256x256xf32>
    %add3A_159 = arith.addf %dot_general3A_154, %add3A_158 : vector<256x256xf32>
    %get3A_160 = arith.constant 0 : index
    %get3A_161 = arith.constant 0 : index
    %get3A_162 = vector.load %arg13[%get3A_160, %get3A_161] : memref<512x256xbf16, #tpu.memory_space<vmem>>, vector<512x256xbf16>
    %dot_general3A_163 = arith.constant dense<0.000000e+00> : vector<256x256xf32>
    %dot_general3A_164 = tpu.matmul %convert_element_type3A_139, %get3A_162, %dot_general3A_163 {dimension_numbers = #tpu.dot_dimension_numbers<[1], [0], [0], [1], [0, 0, 1, 1], [], []>, transpose_lhs_hint = false} : vector<256x512xbf16>, vector<512x256xbf16>, vector<256x256xf32> -> vector<256x256xf32>
    %get3A_165 = arith.constant 0 : index
    %get3A_166 = vector.load %arg14[%get3A_165] : memref<256xf32, #tpu.memory_space<vmem>>, vector<256xf32>
    %broadcast_in_dim3A_167 = vector.shape_cast %get3A_166 : vector<256xf32> to vector<1x256xf32>
    %add3A_168 = vector.broadcast %broadcast_in_dim3A_167 : vector<1x256xf32> to vector<256x256xf32>
    %add3A_169 = arith.addf %dot_general3A_164, %add3A_168 : vector<256x256xf32>
    %convert_element_type3A_170 = arith.truncf %add3A_149 : vector<256x256xf32> to vector<256x256xbf16>
    %convert_element_type3A_171 = arith.truncf %add3A_159 : vector<256x256xf32> to vector<256x256xbf16>
    %convert_element_type3A_172 = arith.truncf %add3A_169 : vector<256x256xf32> to vector<256x256xbf16>
    %dot_general3A_173 = arith.constant dense<0.000000e+00> : vector<256x256xf32>
    %dot_general3A_174 = tpu.matmul %convert_element_type3A_171, %convert_element_type3A_172, %dot_general3A_173 {dimension_numbers = #tpu.dot_dimension_numbers<[1], [1], [0], [0], [0, 0, 1, 0], [], []>, transpose_lhs_hint = false} : vector<256x256xbf16>, vector<256x256xbf16>, vector<256x256xf32> -> vector<256x256xf32>
    %iota3A = tpu.iota {dimensions = array<i32: 0>} : vector<256x256xi32>
    %iota3A_175 = tpu.iota {dimensions = array<i32: 1>} : vector<256x256xi32>
    %jit3A = arith.constant 32 : i32
    %div3A = vector.broadcast %jit3A : i32 to vector<256x256xi32>
    %div3A_176 = arith.divsi %iota3A, %div3A : vector<256x256xi32>
    %sign3A = arith.constant 0 : i32
    %sign3A_177 = vector.broadcast %sign3A : i32 to vector<256x256xi32>
    %sign3A_178 = arith.cmpi sgt, %iota3A, %sign3A_177 : vector<256x256xi32>
    %sign3A_179 = arith.extui %sign3A_178 : vector<256x256xi1> to vector<256x256xi32>
    %sign3A_180 = arith.constant 0 : i32
    %sign3A_181 = vector.broadcast %sign3A_180 : i32 to vector<256x256xi32>
    %sign3A_182 = arith.cmpi slt, %iota3A, %sign3A_181 : vector<256x256xi32>
    %sign3A_183 = arith.extui %sign3A_182 : vector<256x256xi1> to vector<256x256xi32>
    %sign3A_184 = arith.subi %sign3A_179, %sign3A_183 : vector<256x256xi32>
    %sign3A_185 = arith.constant 0 : i32
    %sign3A_186 = arith.cmpi sgt, %jit3A, %sign3A_185 : i32
    %sign3A_187 = arith.extui %sign3A_186 : i1 to i32
    %sign3A_188 = arith.constant 0 : i32
    %sign3A_189 = arith.cmpi slt, %jit3A, %sign3A_188 : i32
    %sign3A_190 = arith.extui %sign3A_189 : i1 to i32
    %sign3A_191 = arith.subi %sign3A_187, %sign3A_190 : i32
    %ne3A = vector.broadcast %sign3A_191 : i32 to vector<256x256xi32>
    %ne3A_192 = arith.cmpi ne, %sign3A_184, %ne3A : vector<256x256xi32>
    %rem3A = vector.broadcast %jit3A : i32 to vector<256x256xi32>
    %rem3A_193 = arith.remsi %iota3A, %rem3A : vector<256x256xi32>
    %ne3A_194 = arith.constant 0 : i32
    %ne3A_195 = vector.broadcast %ne3A_194 : i32 to vector<256x256xi32>
    %ne3A_196 = arith.cmpi ne, %rem3A_193, %ne3A_195 : vector<256x256xi32>
    %and3A = arith.andi %ne3A_192, %ne3A_196 : vector<256x256xi1>
    %sub3A = arith.constant 1 : i32
    %sub3A_197 = vector.broadcast %sub3A : i32 to vector<256x256xi32>
    %sub3A_198 = arith.subi %div3A_176, %sub3A_197 : vector<256x256xi32>
    %select_n3A = arith.select %and3A, %sub3A_198, %div3A_176 : vector<256x256xi1>, vector<256x256xi32>
    %jit3A_199 = arith.constant 32 : i32
    %div3A_200 = vector.broadcast %jit3A_199 : i32 to vector<256x256xi32>
    %div3A_201 = arith.divsi %iota3A_175, %div3A_200 : vector<256x256xi32>
    %sign3A_202 = arith.constant 0 : i32
    %sign3A_203 = vector.broadcast %sign3A_202 : i32 to vector<256x256xi32>
    %sign3A_204 = arith.cmpi sgt, %iota3A_175, %sign3A_203 : vector<256x256xi32>
    %sign3A_205 = arith.extui %sign3A_204 : vector<256x256xi1> to vector<256x256xi32>
    %sign3A_206 = arith.constant 0 : i32
    %sign3A_207 = vector.broadcast %sign3A_206 : i32 to vector<256x256xi32>
    %sign3A_208 = arith.cmpi slt, %iota3A_175, %sign3A_207 : vector<256x256xi32>
    %sign3A_209 = arith.extui %sign3A_208 : vector<256x256xi1> to vector<256x256xi32>
    %sign3A_210 = arith.subi %sign3A_205, %sign3A_209 : vector<256x256xi32>
    %sign3A_211 = arith.constant 0 : i32
    %sign3A_212 = arith.cmpi sgt, %jit3A_199, %sign3A_211 : i32
    %sign3A_213 = arith.extui %sign3A_212 : i1 to i32
    %sign3A_214 = arith.constant 0 : i32
    %sign3A_215 = arith.cmpi slt, %jit3A_199, %sign3A_214 : i32
    %sign3A_216 = arith.extui %sign3A_215 : i1 to i32
    %sign3A_217 = arith.subi %sign3A_213, %sign3A_216 : i32
    %ne3A_218 = vector.broadcast %sign3A_217 : i32 to vector<256x256xi32>
    %ne3A_219 = arith.cmpi ne, %sign3A_210, %ne3A_218 : vector<256x256xi32>
    %rem3A_220 = vector.broadcast %jit3A_199 : i32 to vector<256x256xi32>
    %rem3A_221 = arith.remsi %iota3A_175, %rem3A_220 : vector<256x256xi32>
    %ne3A_222 = arith.constant 0 : i32
    %ne3A_223 = vector.broadcast %ne3A_222 : i32 to vector<256x256xi32>
    %ne3A_224 = arith.cmpi ne, %rem3A_221, %ne3A_223 : vector<256x256xi32>
    %and3A_225 = arith.andi %ne3A_219, %ne3A_224 : vector<256x256xi1>
    %sub3A_226 = arith.constant 1 : i32
    %sub3A_227 = vector.broadcast %sub3A_226 : i32 to vector<256x256xi32>
    %sub3A_228 = arith.subi %div3A_201, %sub3A_227 : vector<256x256xi32>
    %select_n3A_229 = arith.select %and3A_225, %sub3A_228, %div3A_201 : vector<256x256xi1>, vector<256x256xi32>
    %eq3A = arith.cmpi eq, %select_n3A, %select_n3A_229 : vector<256x256xi32>
    %jit3A_230 = arith.constant -3.000000e+38 : f32
    %broadcast_in_dim3A_231 = vector.broadcast %jit3A_230 : f32 to vector<256x256xf32>
    %select_n3A_232 = arith.select %eq3A, %dot_general3A_174, %broadcast_in_dim3A_231 : vector<256x256xi1>, vector<256x256xf32>
    %reduce_max3A = arith.constant dense<0xFF800000> : vector<256xf32>
    %reduce_max3A_233 = vector.multi_reduction <maximumf>, %select_n3A_232, %reduce_max3A [1] : vector<256x256xf32> to vector<256xf32>
    %max3A_234 = arith.constant 0xFF800000 : f32
    %max3A_235 = vector.broadcast %max3A_234 : f32 to vector<256xf32>
    %max3A_236 = arith.maximumf %max3A_235, %reduce_max3A_233 : vector<256xf32>
    %broadcast_in_dim3A_237 = vector.shape_cast %max3A_236 : vector<256xf32> to vector<256x1xf32>
    %sub3A_238 = vector.broadcast %broadcast_in_dim3A_237 : vector<256x1xf32> to vector<256x256xf32>
    %sub3A_239 = arith.subf %select_n3A_232, %sub3A_238 : vector<256x256xf32>
    %exp3A = math.exp %sub3A_239 : vector<256x256xf32>
    %reduce_sum3A = arith.constant dense<0.000000e+00> : vector<256xf32>
    %reduce_sum3A_240 = vector.multi_reduction <add>, %exp3A, %reduce_sum3A [1] : vector<256x256xf32> to vector<256xf32>
    %broadcast_in_dim3A_241 = vector.shape_cast %reduce_sum3A_240 : vector<256xf32> to vector<256x1xf32>
    %div3A_242 = vector.broadcast %broadcast_in_dim3A_241 : vector<256x1xf32> to vector<256x256xf32>
    %div3A_243 = arith.divf %exp3A, %div3A_242 : vector<256x256xf32>
    %convert_element_type3A_244 = arith.truncf %div3A_243 : vector<256x256xf32> to vector<256x256xbf16>
    %dot_general3A_245 = arith.constant dense<0.000000e+00> : vector<256x256xf32>
    %dot_general3A_246 = tpu.matmul %convert_element_type3A_244, %convert_element_type3A_170, %dot_general3A_245 {dimension_numbers = #tpu.dot_dimension_numbers<[1], [0], [0], [1], [0, 0, 1, 1], [], []>, transpose_lhs_hint = false} : vector<256x256xbf16>, vector<256x256xbf16>, vector<256x256xf32> -> vector<256x256xf32>
    %convert_element_type3A_247 = arith.truncf %dot_general3A_246 : vector<256x256xf32> to vector<256x256xbf16>
    %get3A_248 = arith.constant 0 : index
    %get3A_249 = arith.constant 0 : index
    %get3A_250 = vector.load %arg15[%get3A_248, %get3A_249] : memref<256x512xbf16, #tpu.memory_space<vmem>>, vector<256x512xbf16>
    %dot_general3A_251 = arith.constant dense<0.000000e+00> : vector<256x512xf32>
    %dot_general3A_252 = tpu.matmul %convert_element_type3A_247, %get3A_250, %dot_general3A_251 {dimension_numbers = #tpu.dot_dimension_numbers<[1], [0], [0], [1], [0, 0, 1, 1], [], []>, transpose_lhs_hint = false} : vector<256x256xbf16>, vector<256x512xbf16>, vector<256x512xf32> -> vector<256x512xf32>
    %get3A_253 = arith.constant 0 : index
    %get3A_254 = vector.load %arg16[%get3A_253] : memref<512xf32, #tpu.memory_space<vmem>>, vector<512xf32>
    %broadcast_in_dim3A_255 = vector.shape_cast %get3A_254 : vector<512xf32> to vector<1x512xf32>
    %add3A_256 = vector.broadcast %broadcast_in_dim3A_255 : vector<1x512xf32> to vector<256x512xf32>
    %add3A_257 = arith.addf %dot_general3A_252, %add3A_256 : vector<256x512xf32>
    %add3A_258 = arith.addf %add3A_257, %max3A_138 : vector<256x512xf32>
    %convert_element_type3A_259 = arith.truncf %add3A_258 : vector<256x512xf32> to vector<256x512xbf16>
    %reshape3A_260 = vector.shape_cast %convert_element_type3A_259 : vector<256x512xbf16> to vector<8x32x512xbf16>
    %swap3A_261 = arith.constant 0 : index
    %swap3A_262 = arith.constant 0 : index
    %swap3A_263 = arith.constant 0 : index
    %swap3A_264 = vector.load %arg18[%swap3A_261, %swap3A_262, %swap3A_263] : memref<8x32x512xbf16, #tpu.memory_space<vmem>>, vector<8x32x512xbf16>
    tpu.vector_store %arg18[%swap3A_261, %swap3A_262, %swap3A_263], %reshape3A_260 {strides = array<i32>} : memref<8x32x512xbf16, #tpu.memory_space<vmem>>, vector<8x32x512xbf16>,
    return
  }
  func.func @transform_0(%arg0: i32) -> (i32, i32, i32) {
    %c0_i32 = arith.constant 0 : i32
    %c0_i32_0 = arith.constant 0 : i32
    %c0_i32_1 = arith.constant 0 : i32
    return %arg0, %c0_i32, %c0_i32_0 : i32, i32, i32
  }
  func.func @transform_1(%arg0: i32) -> (i32, i32, i32) {
    %c0_i32 = arith.constant 0 : i32
    %c0_i32_0 = arith.constant 0 : i32
    %c0_i32_1 = arith.constant 0 : i32
    %c0_i32_2 = arith.constant 0 : i32
    return %c0_i32, %c0_i32_0, %c0_i32_1 : i32, i32, i32
  }
  func.func @transform_2(%arg0: i32) -> i32 {
    %c0_i32 = arith.constant 0 : i32
    %c0_i32_0 = arith.constant 0 : i32
    return %c0_i32 : i32
  }
  func.func @transform_3(%arg0: i32) -> (i32, i32, i32) {
    %c0_i32 = arith.constant 0 : i32
    %c0_i32_0 = arith.constant 0 : i32
    %c0_i32_1 = arith.constant 0 : i32
    %c0_i32_2 = arith.constant 0 : i32
    return %c0_i32, %c0_i32_0, %c0_i32_1 : i32, i32, i32
  }
  func.func @transform_4(%arg0: i32) -> i32 {
    %c0_i32 = arith.constant 0 : i32
    %c0_i32_0 = arith.constant 0 : i32
    return %c0_i32 : i32
  }
  func.func @transform_5(%arg0: i32) -> (i32, i32, i32) {
    %c0_i32 = arith.constant 0 : i32
    %c0_i32_0 = arith.constant 0 : i32
    %c0_i32_1 = arith.constant 0 : i32
    %c0_i32_2 = arith.constant 0 : i32
    return %c0_i32, %c0_i32_0, %c0_i32_1 : i32, i32, i32
  }
  func.func @transform_6(%arg0: i32) -> i32 {
    %c0_i32 = arith.constant 0 : i32
    %c0_i32_0 = arith.constant 0 : i32
    return %c0_i32 : i32
  }
  func.func @transform_7(%arg0: i32) -> (i32, i32) {
    %c0_i32 = arith.constant 0 : i32
    %c0_i32_0 = arith.constant 0 : i32
    %c0_i32_1 = arith.constant 0 : i32
    return %c0_i32, %c0_i32_0 : i32, i32
  }
  func.func @transform_8(%arg0: i32) -> (i32, i32) {
    %c0_i32 = arith.constant 0 : i32
    %c0_i32_0 = arith.constant 0 : i32
    %c0_i32_1 = arith.constant 0 : i32
    return %c0_i32, %c0_i32_0 : i32, i32
  }
  func.func @transform_9(%arg0: i32) -> i32 {
    %c0_i32 = arith.constant 0 : i32
    %c0_i32_0 = arith.constant 0 : i32
    return %c0_i32 : i32
  }
  func.func @transform_10(%arg0: i32) -> (i32, i32) {
    %c0_i32 = arith.constant 0 : i32
    %c0_i32_0 = arith.constant 0 : i32
    %c0_i32_1 = arith.constant 0 : i32
    return %c0_i32, %c0_i32_0 : i32, i32
  }
  func.func @transform_11(%arg0: i32) -> i32 {
    %c0_i32 = arith.constant 0 : i32
    %c0_i32_0 = arith.constant 0 : i32
    return %c0_i32 : i32
  }
  func.func @transform_12(%arg0: i32) -> (i32, i32) {
    %c0_i32 = arith.constant 0 : i32
    %c0_i32_0 = arith.constant 0 : i32
    %c0_i32_1 = arith.constant 0 : i32
    return %c0_i32, %c0_i32_0 : i32, i32
  }
  func.func @transform_13(%arg0: i32) -> i32 {
    %c0_i32 = arith.constant 0 : i32
    %c0_i32_0 = arith.constant 0 : i32
    return %c0_i32 : i32
  }
  func.func @transform_14(%arg0: i32) -> (i32, i32) {
    %c0_i32 = arith.constant 0 : i32
    %c0_i32_0 = arith.constant 0 : i32
    %c0_i32_1 = arith.constant 0 : i32
    return %c0_i32, %c0_i32_0 : i32, i32
  }
  func.func @transform_15(%arg0: i32) -> i32 {
    %c0_i32 = arith.constant 0 : i32
    %c0_i32_0 = arith.constant 0 : i32
    return %c0_i32 : i32
  }
  func.func @transform_16(%arg0: i32) -> (i32, i32, i32) {
    %c0_i32 = arith.constant 0 : i32
    %c0_i32_0 = arith.constant 0 : i32
    %c0_i32_1 = arith.constant 0 : i32
    return %arg0, %c0_i32, %c0_i32_0 : i32, i32, i32
  }
  func.func @transform_17(%arg0: i32) -> (i32, i32, i32) {
    %c0_i32 = arith.constant 0 : i32
    %c0_i32_0 = arith.constant 0 : i32
    %c0_i32_1 = arith.constant 0 : i32
    return %arg0, %c0_i32, %c0_i32_0 : i32, i32, i32
  }
}

module attributes {stable_mosaic.version = 14 : i64} {
  func.func @_d_body(%arg0: i32, %arg1: memref<320x32xf32, #tpu.memory_space<vmem>>, %arg2: memref<320x32xf32, #tpu.memory_space<vmem>>, %arg3: memref<32x32xf32, #tpu.memory_space<vmem>>, %arg4: memref<32x32xf32, #tpu.memory_space<vmem>>, %arg5: memref<16x1xf32, #tpu.memory_space<vmem>>, %arg6: memref<16x1xf32, #tpu.memory_space<vmem>>, %arg7: memref<32x32xi32, #tpu.memory_space<vmem>>) attributes {dimension_semantics = [#tpu.dimension_semantics<arbitrary>], iteration_bounds = array<i64: 1>, scalar_prefetch = 0 : i64, scratch_operands = 0 : i64, tpu.core_type = #tpu.core_type<tc>, window_params = [{pipeline_mode = #tpu.pipeline_mode<synchronous>, transform_indices = @transform_0, window_bounds = array<i64: 320, 32>}, {pipeline_mode = #tpu.pipeline_mode<synchronous>, transform_indices = @transform_1, window_bounds = array<i64: 320, 32>}, {pipeline_mode = #tpu.pipeline_mode<synchronous>, transform_indices = @transform_2, window_bounds = array<i64: 32, 32>}, {pipeline_mode = #tpu.pipeline_mode<synchronous>, transform_indices = @transform_3, window_bounds = array<i64: 32, 32>}, {pipeline_mode = #tpu.pipeline_mode<synchronous>, transform_indices = @transform_4, window_bounds = array<i64: 16, 1>}, {pipeline_mode = #tpu.pipeline_mode<synchronous>, transform_indices = @transform_5, window_bounds = array<i64: 16, 1>}, {pipeline_mode = #tpu.pipeline_mode<synchronous>, transform_indices = @transform_6, window_bounds = array<i64: 32, 32>}]} {
    %get3A = arith.constant 0 : index
    %get3A_0 = arith.constant 0 : index
    %get3A_1 = vector.load %arg1[%get3A, %get3A_0] : memref<320x32xf32, #tpu.memory_space<vmem>>, vector<320x32xf32>
    %get3A_2 = arith.constant 0 : index
    %get3A_3 = arith.constant 0 : index
    %get3A_4 = vector.load %arg2[%get3A_2, %get3A_3] : memref<320x32xf32, #tpu.memory_space<vmem>>, vector<320x32xf32>
    %iota3A = tpu.iota {dimensions = array<i32: 1>} : vector<32x320xi32>
    %iota3A_5 = tpu.iota {dimensions = array<i32: 0>} : vector<32x320xi32>
    %jit3A = arith.constant 10 : i32
    %div3A = vector.broadcast %jit3A : i32 to vector<32x320xi32>
    %div3A_6 = arith.divsi %iota3A, %div3A : vector<32x320xi32>
    %sign3A = arith.constant 0 : i32
    %sign3A_7 = vector.broadcast %sign3A : i32 to vector<32x320xi32>
    %sign3A_8 = arith.cmpi sgt, %iota3A, %sign3A_7 : vector<32x320xi32>
    %sign3A_9 = arith.extui %sign3A_8 : vector<32x320xi1> to vector<32x320xi32>
    %sign3A_10 = arith.constant 0 : i32
    %sign3A_11 = vector.broadcast %sign3A_10 : i32 to vector<32x320xi32>
    %sign3A_12 = arith.cmpi slt, %iota3A, %sign3A_11 : vector<32x320xi32>
    %sign3A_13 = arith.extui %sign3A_12 : vector<32x320xi1> to vector<32x320xi32>
    %sign3A_14 = arith.subi %sign3A_9, %sign3A_13 : vector<32x320xi32>
    %sign3A_15 = arith.constant 0 : i32
    %sign3A_16 = arith.cmpi sgt, %jit3A, %sign3A_15 : i32
    %sign3A_17 = arith.extui %sign3A_16 : i1 to i32
    %sign3A_18 = arith.constant 0 : i32
    %sign3A_19 = arith.cmpi slt, %jit3A, %sign3A_18 : i32
    %sign3A_20 = arith.extui %sign3A_19 : i1 to i32
    %sign3A_21 = arith.subi %sign3A_17, %sign3A_20 : i32
    %ne3A = vector.broadcast %sign3A_21 : i32 to vector<32x320xi32>
    %ne3A_22 = arith.cmpi ne, %sign3A_14, %ne3A : vector<32x320xi32>
    %rem3A = vector.broadcast %jit3A : i32 to vector<32x320xi32>
    %rem3A_23 = arith.remsi %iota3A, %rem3A : vector<32x320xi32>
    %ne3A_24 = arith.constant 0 : i32
    %ne3A_25 = vector.broadcast %ne3A_24 : i32 to vector<32x320xi32>
    %ne3A_26 = arith.cmpi ne, %rem3A_23, %ne3A_25 : vector<32x320xi32>
    %and3A = arith.andi %ne3A_22, %ne3A_26 : vector<32x320xi1>
    %sub3A = arith.constant 1 : i32
    %sub3A_27 = vector.broadcast %sub3A : i32 to vector<32x320xi32>
    %sub3A_28 = arith.subi %div3A_6, %sub3A_27 : vector<32x320xi32>
    %select_n3A = arith.select %and3A, %sub3A_28, %div3A_6 : vector<32x320xi1>, vector<32x320xi32>
    %eq3A = arith.cmpi eq, %select_n3A, %iota3A_5 : vector<32x320xi32>
    %jit3A_29 = arith.constant 1.000000e-01 : f32
    %jit3A_30 = arith.constant 0.000000e+00 : f32
    %broadcast_in_dim3A = vector.broadcast %jit3A_29 : f32 to vector<32x320xf32>
    %broadcast_in_dim3A_31 = vector.broadcast %jit3A_30 : f32 to vector<32x320xf32>
    %select_n3A_32 = arith.select %eq3A, %broadcast_in_dim3A, %broadcast_in_dim3A_31 : vector<32x320xi1>, vector<32x320xf32>
    %dot_general3A = arith.constant dense<0.000000e+00> : vector<32x32xf32>
    %dot_general3A_33 = tpu.matmul %select_n3A_32, %get3A_1, %dot_general3A {dimension_numbers = #tpu.dot_dimension_numbers<[1], [0], [0], [1], [0, 0, 1, 1], [], []>, precision = #tpu.contract_precision<fp32>, transpose_lhs_hint = false} : vector<32x320xf32>, vector<320x32xf32>, vector<32x32xf32> -> vector<32x32xf32>
    %dot_general3A_34 = arith.constant dense<0.000000e+00> : vector<32x32xf32>
    %dot_general3A_35 = tpu.matmul %select_n3A_32, %get3A_4, %dot_general3A_34 {dimension_numbers = #tpu.dot_dimension_numbers<[1], [0], [0], [1], [0, 0, 1, 1], [], []>, precision = #tpu.contract_precision<fp32>, transpose_lhs_hint = false} : vector<32x320xf32>, vector<320x32xf32>, vector<32x32xf32> -> vector<32x32xf32>
    %swap3A = arith.constant 0 : index
    %swap3A_36 = arith.constant 0 : index
    %swap3A_37 = vector.load %arg3[%swap3A, %swap3A_36] : memref<32x32xf32, #tpu.memory_space<vmem>>, vector<32x32xf32>
    tpu.vector_store %arg3[%swap3A, %swap3A_36], %dot_general3A_33 {strides = array<i32>} : memref<32x32xf32, #tpu.memory_space<vmem>>, vector<32x32xf32>,
    %swap3A_38 = arith.constant 0 : index
    %swap3A_39 = arith.constant 0 : index
    %swap3A_40 = vector.load %arg4[%swap3A_38, %swap3A_39] : memref<32x32xf32, #tpu.memory_space<vmem>>, vector<32x32xf32>
    tpu.vector_store %arg4[%swap3A_38, %swap3A_39], %dot_general3A_35 {strides = array<i32>} : memref<32x32xf32, #tpu.memory_space<vmem>>, vector<32x32xf32>,
    %slice3A = vector.extract_strided_slice %dot_general3A_33 {offsets = [16, 0], sizes = [16, 32], strides = [1, 1]} : vector<32x32xf32> to vector<16x32xf32>
    %iota3A_41 = tpu.iota {dimensions = array<i32: 1>} : vector<16x32xi32>
    %reduce_max3A = arith.constant dense<0xFF800000> : vector<16xf32>
    %reduce_max3A_42 = vector.multi_reduction <maximumf>, %slice3A, %reduce_max3A [1] : vector<16x32xf32> to vector<16xf32>
    %broadcast_in_dim3A_43 = vector.shape_cast %reduce_max3A_42 : vector<16xf32> to vector<16x1xf32>
    %ge3A = vector.broadcast %broadcast_in_dim3A_43 : vector<16x1xf32> to vector<16x32xf32>
    %ge3A_44 = arith.cmpf oge, %slice3A, %ge3A : vector<16x32xf32>
    %jit3A_45 = arith.constant 64 : i32
    %broadcast_in_dim3A_46 = vector.broadcast %jit3A_45 : i32 to vector<16x32xi32>
    %select_n3A_47 = arith.select %ge3A_44, %iota3A_41, %broadcast_in_dim3A_46 : vector<16x32xi1>, vector<16x32xi32>
    %reduce_min3A = arith.constant dense<2147483647> : vector<16xi32>
    %reduce_min3A_48 = vector.multi_reduction <minsi>, %select_n3A_47, %reduce_min3A [1] : vector<16x32xi32> to vector<16xi32>
    %broadcast_in_dim3A_49 = vector.shape_cast %reduce_min3A_48 : vector<16xi32> to vector<16x1xi32>
    %eq3A_50 = vector.broadcast %broadcast_in_dim3A_49 : vector<16x1xi32> to vector<16x32xi32>
    %eq3A_51 = arith.cmpi eq, %iota3A_41, %eq3A_50 : vector<16x32xi32>
    %jit3A_52 = arith.constant -3.000000e+38 : f32
    %broadcast_in_dim3A_53 = vector.broadcast %jit3A_52 : f32 to vector<16x32xf32>
    %select_n3A_54 = arith.select %eq3A_51, %broadcast_in_dim3A_53, %slice3A : vector<16x32xi1>, vector<16x32xf32>
    %reduce_max3A_55 = arith.constant dense<0xFF800000> : vector<16xf32>
    %reduce_max3A_56 = vector.multi_reduction <maximumf>, %select_n3A_54, %reduce_max3A_55 [1] : vector<16x32xf32> to vector<16xf32>
    %broadcast_in_dim3A_57 = vector.shape_cast %reduce_max3A_56 : vector<16xf32> to vector<16x1xf32>
    %ge3A_58 = vector.broadcast %broadcast_in_dim3A_57 : vector<16x1xf32> to vector<16x32xf32>
    %ge3A_59 = arith.cmpf oge, %select_n3A_54, %ge3A_58 : vector<16x32xf32>
    %jit3A_60 = arith.constant 64 : i32
    %broadcast_in_dim3A_61 = vector.broadcast %jit3A_60 : i32 to vector<16x32xi32>
    %select_n3A_62 = arith.select %ge3A_59, %iota3A_41, %broadcast_in_dim3A_61 : vector<16x32xi1>, vector<16x32xi32>
    %reduce_min3A_63 = arith.constant dense<2147483647> : vector<16xi32>
    %reduce_min3A_64 = vector.multi_reduction <minsi>, %select_n3A_62, %reduce_min3A_63 [1] : vector<16x32xi32> to vector<16xi32>
    %broadcast_in_dim3A_65 = vector.shape_cast %reduce_min3A_64 : vector<16xi32> to vector<16x1xi32>
    %eq3A_66 = vector.broadcast %broadcast_in_dim3A_65 : vector<16x1xi32> to vector<16x32xi32>
    %eq3A_67 = arith.cmpi eq, %iota3A_41, %eq3A_66 : vector<16x32xi32>
    %jit3A_68 = arith.constant -3.000000e+38 : f32
    %broadcast_in_dim3A_69 = vector.broadcast %jit3A_68 : f32 to vector<16x32xf32>
    %select_n3A_70 = arith.select %eq3A_67, %broadcast_in_dim3A_69, %select_n3A_54 : vector<16x32xi1>, vector<16x32xf32>
    %reduce_max3A_71 = arith.constant dense<0xFF800000> : vector<16xf32>
    %reduce_max3A_72 = vector.multi_reduction <maximumf>, %select_n3A_70, %reduce_max3A_71 [1] : vector<16x32xf32> to vector<16xf32>
    %broadcast_in_dim3A_73 = vector.shape_cast %reduce_max3A_72 : vector<16xf32> to vector<16x1xf32>
    %ge3A_74 = vector.broadcast %broadcast_in_dim3A_73 : vector<16x1xf32> to vector<16x32xf32>
    %ge3A_75 = arith.cmpf oge, %select_n3A_70, %ge3A_74 : vector<16x32xf32>
    %jit3A_76 = arith.constant 64 : i32
    %broadcast_in_dim3A_77 = vector.broadcast %jit3A_76 : i32 to vector<16x32xi32>
    %select_n3A_78 = arith.select %ge3A_75, %iota3A_41, %broadcast_in_dim3A_77 : vector<16x32xi1>, vector<16x32xi32>
    %reduce_min3A_79 = arith.constant dense<2147483647> : vector<16xi32>
    %reduce_min3A_80 = vector.multi_reduction <minsi>, %select_n3A_78, %reduce_min3A_79 [1] : vector<16x32xi32> to vector<16xi32>
    %broadcast_in_dim3A_81 = vector.shape_cast %reduce_min3A_80 : vector<16xi32> to vector<16x1xi32>
    %eq3A_82 = vector.broadcast %broadcast_in_dim3A_81 : vector<16x1xi32> to vector<16x32xi32>
    %eq3A_83 = arith.cmpi eq, %iota3A_41, %eq3A_82 : vector<16x32xi32>
    %slice3A_84 = vector.extract_strided_slice %dot_general3A_33 {offsets = [0, 0], sizes = [16, 32], strides = [1, 1]} : vector<32x32xf32> to vector<16x32xf32>
    %iota3A_85 = tpu.iota {dimensions = array<i32: 1>} : vector<16x32xi32>
    %reduce_max3A_86 = arith.constant dense<0xFF800000> : vector<16xf32>
    %reduce_max3A_87 = vector.multi_reduction <maximumf>, %slice3A_84, %reduce_max3A_86 [1] : vector<16x32xf32> to vector<16xf32>
    %broadcast_in_dim3A_88 = vector.shape_cast %reduce_max3A_87 : vector<16xf32> to vector<16x1xf32>
    %ge3A_89 = vector.broadcast %broadcast_in_dim3A_88 : vector<16x1xf32> to vector<16x32xf32>
    %ge3A_90 = arith.cmpf oge, %slice3A_84, %ge3A_89 : vector<16x32xf32>
    %jit3A_91 = arith.constant 64 : i32
    %broadcast_in_dim3A_92 = vector.broadcast %jit3A_91 : i32 to vector<16x32xi32>
    %select_n3A_93 = arith.select %ge3A_90, %iota3A_85, %broadcast_in_dim3A_92 : vector<16x32xi1>, vector<16x32xi32>
    %reduce_min3A_94 = arith.constant dense<2147483647> : vector<16xi32>
    %reduce_min3A_95 = vector.multi_reduction <minsi>, %select_n3A_93, %reduce_min3A_94 [1] : vector<16x32xi32> to vector<16xi32>
    %broadcast_in_dim3A_96 = vector.shape_cast %reduce_min3A_95 : vector<16xi32> to vector<16x1xi32>
    %eq3A_97 = vector.broadcast %broadcast_in_dim3A_96 : vector<16x1xi32> to vector<16x32xi32>
    %eq3A_98 = arith.cmpi eq, %iota3A_85, %eq3A_97 : vector<16x32xi32>
    %jit3A_99 = arith.constant -3.000000e+38 : f32
    %broadcast_in_dim3A_100 = vector.broadcast %jit3A_99 : f32 to vector<16x32xf32>
    %select_n3A_101 = arith.select %eq3A_98, %broadcast_in_dim3A_100, %slice3A_84 : vector<16x32xi1>, vector<16x32xf32>
    %reduce_max3A_102 = arith.constant dense<0xFF800000> : vector<16xf32>
    %reduce_max3A_103 = vector.multi_reduction <maximumf>, %select_n3A_101, %reduce_max3A_102 [1] : vector<16x32xf32> to vector<16xf32>
    %broadcast_in_dim3A_104 = vector.shape_cast %reduce_max3A_103 : vector<16xf32> to vector<16x1xf32>
    %ge3A_105 = vector.broadcast %broadcast_in_dim3A_104 : vector<16x1xf32> to vector<16x32xf32>
    %ge3A_106 = arith.cmpf oge, %select_n3A_101, %ge3A_105 : vector<16x32xf32>
    %jit3A_107 = arith.constant 64 : i32
    %broadcast_in_dim3A_108 = vector.broadcast %jit3A_107 : i32 to vector<16x32xi32>
    %select_n3A_109 = arith.select %ge3A_106, %iota3A_85, %broadcast_in_dim3A_108 : vector<16x32xi1>, vector<16x32xi32>
    %reduce_min3A_110 = arith.constant dense<2147483647> : vector<16xi32>
    %reduce_min3A_111 = vector.multi_reduction <minsi>, %select_n3A_109, %reduce_min3A_110 [1] : vector<16x32xi32> to vector<16xi32>
    %broadcast_in_dim3A_112 = vector.shape_cast %reduce_min3A_111 : vector<16xi32> to vector<16x1xi32>
    %eq3A_113 = vector.broadcast %broadcast_in_dim3A_112 : vector<16x1xi32> to vector<16x32xi32>
    %eq3A_114 = arith.cmpi eq, %iota3A_85, %eq3A_113 : vector<16x32xi32>
    %jit3A_115 = arith.constant -3.000000e+38 : f32
    %broadcast_in_dim3A_116 = vector.broadcast %jit3A_115 : f32 to vector<16x32xf32>
    %select_n3A_117 = arith.select %eq3A_114, %broadcast_in_dim3A_116, %select_n3A_101 : vector<16x32xi1>, vector<16x32xf32>
    %reduce_max3A_118 = arith.constant dense<0xFF800000> : vector<16xf32>
    %reduce_max3A_119 = vector.multi_reduction <maximumf>, %select_n3A_117, %reduce_max3A_118 [1] : vector<16x32xf32> to vector<16xf32>
    %broadcast_in_dim3A_120 = vector.shape_cast %reduce_max3A_119 : vector<16xf32> to vector<16x1xf32>
    %ge3A_121 = vector.broadcast %broadcast_in_dim3A_120 : vector<16x1xf32> to vector<16x32xf32>
    %ge3A_122 = arith.cmpf oge, %select_n3A_117, %ge3A_121 : vector<16x32xf32>
    %jit3A_123 = arith.constant 64 : i32
    %broadcast_in_dim3A_124 = vector.broadcast %jit3A_123 : i32 to vector<16x32xi32>
    %select_n3A_125 = arith.select %ge3A_122, %iota3A_85, %broadcast_in_dim3A_124 : vector<16x32xi1>, vector<16x32xi32>
    %reduce_min3A_126 = arith.constant dense<2147483647> : vector<16xi32>
    %reduce_min3A_127 = vector.multi_reduction <minsi>, %select_n3A_125, %reduce_min3A_126 [1] : vector<16x32xi32> to vector<16xi32>
    %broadcast_in_dim3A_128 = vector.shape_cast %reduce_min3A_127 : vector<16xi32> to vector<16x1xi32>
    %eq3A_129 = vector.broadcast %broadcast_in_dim3A_128 : vector<16x1xi32> to vector<16x32xi32>
    %eq3A_130 = arith.cmpi eq, %iota3A_85, %eq3A_129 : vector<16x32xi32>
    %slice3A_131 = vector.extract_strided_slice %dot_general3A_35 {offsets = [16, 0], sizes = [16, 32], strides = [1, 1]} : vector<32x32xf32> to vector<16x32xf32>
    %slice3A_132 = vector.extract_strided_slice %dot_general3A_35 {offsets = [0, 0], sizes = [16, 32], strides = [1, 1]} : vector<32x32xf32> to vector<16x32xf32>
    %jit3A_133 = arith.constant 0.000000e+00 : f32
    %broadcast_in_dim3A_134 = vector.broadcast %jit3A_133 : f32 to vector<16x32xf32>
    %select_n3A_135 = arith.select %eq3A_51, %slice3A_131, %broadcast_in_dim3A_134 : vector<16x32xi1>, vector<16x32xf32>
    %reduce_sum3A = arith.constant dense<0.000000e+00> : vector<16xf32>
    %reduce_sum3A_136 = vector.multi_reduction <add>, %select_n3A_135, %reduce_sum3A [1] : vector<16x32xf32> to vector<16xf32>
    %add3A = arith.constant 0.000000e+00 : f32
    %add3A_137 = vector.broadcast %add3A : f32 to vector<16xf32>
    %add3A_138 = arith.addf %add3A_137, %reduce_sum3A_136 : vector<16xf32>
    %jit3A_139 = arith.constant 0.000000e+00 : f32
    %broadcast_in_dim3A_140 = vector.broadcast %jit3A_139 : f32 to vector<16x32xf32>
    %select_n3A_141 = arith.select %eq3A_67, %slice3A_131, %broadcast_in_dim3A_140 : vector<16x32xi1>, vector<16x32xf32>
    %reduce_sum3A_142 = arith.constant dense<0.000000e+00> : vector<16xf32>
    %reduce_sum3A_143 = vector.multi_reduction <add>, %select_n3A_141, %reduce_sum3A_142 [1] : vector<16x32xf32> to vector<16xf32>
    %add3A_144 = arith.addf %add3A_138, %reduce_sum3A_143 : vector<16xf32>
    %jit3A_145 = arith.constant 0.000000e+00 : f32
    %broadcast_in_dim3A_146 = vector.broadcast %jit3A_145 : f32 to vector<16x32xf32>
    %select_n3A_147 = arith.select %eq3A_83, %slice3A_131, %broadcast_in_dim3A_146 : vector<16x32xi1>, vector<16x32xf32>
    %reduce_sum3A_148 = arith.constant dense<0.000000e+00> : vector<16xf32>
    %reduce_sum3A_149 = vector.multi_reduction <add>, %select_n3A_147, %reduce_sum3A_148 [1] : vector<16x32xf32> to vector<16xf32>
    %add3A_150 = arith.addf %add3A_144, %reduce_sum3A_149 : vector<16xf32>
    %div3A_151 = arith.constant 3.000000e+00 : f32
    %div3A_152 = vector.broadcast %div3A_151 : f32 to vector<16xf32>
    %div3A_153 = arith.divf %add3A_150, %div3A_152 : vector<16xf32>
    %jit3A_154 = arith.constant 0.000000e+00 : f32
    %broadcast_in_dim3A_155 = vector.broadcast %jit3A_154 : f32 to vector<16x32xf32>
    %select_n3A_156 = arith.select %eq3A_98, %slice3A_132, %broadcast_in_dim3A_155 : vector<16x32xi1>, vector<16x32xf32>
    %reduce_sum3A_157 = arith.constant dense<0.000000e+00> : vector<16xf32>
    %reduce_sum3A_158 = vector.multi_reduction <add>, %select_n3A_156, %reduce_sum3A_157 [1] : vector<16x32xf32> to vector<16xf32>
    %add3A_159 = arith.constant 0.000000e+00 : f32
    %add3A_160 = vector.broadcast %add3A_159 : f32 to vector<16xf32>
    %add3A_161 = arith.addf %add3A_160, %reduce_sum3A_158 : vector<16xf32>
    %jit3A_162 = arith.constant 0.000000e+00 : f32
    %broadcast_in_dim3A_163 = vector.broadcast %jit3A_162 : f32 to vector<16x32xf32>
    %select_n3A_164 = arith.select %eq3A_114, %slice3A_132, %broadcast_in_dim3A_163 : vector<16x32xi1>, vector<16x32xf32>
    %reduce_sum3A_165 = arith.constant dense<0.000000e+00> : vector<16xf32>
    %reduce_sum3A_166 = vector.multi_reduction <add>, %select_n3A_164, %reduce_sum3A_165 [1] : vector<16x32xf32> to vector<16xf32>
    %add3A_167 = arith.addf %add3A_161, %reduce_sum3A_166 : vector<16xf32>
    %jit3A_168 = arith.constant 0.000000e+00 : f32
    %broadcast_in_dim3A_169 = vector.broadcast %jit3A_168 : f32 to vector<16x32xf32>
    %select_n3A_170 = arith.select %eq3A_130, %slice3A_132, %broadcast_in_dim3A_169 : vector<16x32xi1>, vector<16x32xf32>
    %reduce_sum3A_171 = arith.constant dense<0.000000e+00> : vector<16xf32>
    %reduce_sum3A_172 = vector.multi_reduction <add>, %select_n3A_170, %reduce_sum3A_171 [1] : vector<16x32xf32> to vector<16xf32>
    %add3A_173 = arith.addf %add3A_167, %reduce_sum3A_172 : vector<16xf32>
    %div3A_174 = arith.constant 3.000000e+00 : f32
    %div3A_175 = vector.broadcast %div3A_174 : f32 to vector<16xf32>
    %div3A_176 = arith.divf %add3A_173, %div3A_175 : vector<16xf32>
    %reshape3A = vector.shape_cast %div3A_153 : vector<16xf32> to vector<16x1xf32>
    %swap3A_177 = arith.constant 0 : index
    %swap3A_178 = arith.constant 0 : index
    %swap3A_179 = vector.load %arg5[%swap3A_177, %swap3A_178] : memref<16x1xf32, #tpu.memory_space<vmem>>, vector<16x1xf32>
    tpu.vector_store %arg5[%swap3A_177, %swap3A_178], %reshape3A {strides = array<i32>} : memref<16x1xf32, #tpu.memory_space<vmem>>, vector<16x1xf32>,
    %reshape3A_180 = vector.shape_cast %div3A_176 : vector<16xf32> to vector<16x1xf32>
    %swap3A_181 = arith.constant 0 : index
    %swap3A_182 = arith.constant 0 : index
    %swap3A_183 = vector.load %arg6[%swap3A_181, %swap3A_182] : memref<16x1xf32, #tpu.memory_space<vmem>>, vector<16x1xf32>
    tpu.vector_store %arg6[%swap3A_181, %swap3A_182], %reshape3A_180 {strides = array<i32>} : memref<16x1xf32, #tpu.memory_space<vmem>>, vector<16x1xf32>,
    %iota3A_184 = tpu.iota {dimensions = array<i32: 0>} : vector<32x32xi32>
    %iota3A_185 = tpu.iota {dimensions = array<i32: 1>} : vector<32x32xi32>
    %mul3A = arith.constant 30 : i32
    %mul3A_186 = vector.broadcast %mul3A : i32 to vector<32x32xi32>
    %mul3A_187 = arith.muli %iota3A_184, %mul3A_186 : vector<32x32xi32>
    %add3A_188 = arith.addi %mul3A_187, %iota3A_185 : vector<32x32xi32>
    %jit3A_189 = arith.constant 48 : i32
    %eq3A_190 = arith.constant 0 : i32
    %eq3A_191 = arith.cmpi eq, %jit3A_189, %eq3A_190 : i32
    %jit3A_192 = arith.constant 1 : i32
    %select_n3A_193 = arith.select %eq3A_191, %jit3A_192, %jit3A_189 : i32
    %rem3A_194 = vector.broadcast %select_n3A_193 : i32 to vector<32x32xi32>
    %rem3A_195 = arith.remsi %add3A_188, %rem3A_194 : vector<32x32xi32>
    %ne3A_196 = arith.constant 0 : i32
    %ne3A_197 = vector.broadcast %ne3A_196 : i32 to vector<32x32xi32>
    %ne3A_198 = arith.cmpi ne, %rem3A_195, %ne3A_197 : vector<32x32xi32>
    %lt3A = arith.constant 0 : i32
    %lt3A_199 = vector.broadcast %lt3A : i32 to vector<32x32xi32>
    %lt3A_200 = arith.cmpi slt, %rem3A_195, %lt3A_199 : vector<32x32xi32>
    %lt3A_201 = arith.constant 0 : i32
    %lt3A_202 = arith.cmpi slt, %select_n3A_193, %lt3A_201 : i32
    %ne3A_203 = vector.broadcast %lt3A_202 : i1 to vector<32x32xi1>
    %ne3A_204 = vector.broadcast %ne3A_203 : vector<32x32xi1> to vector<32x32xi1>
    %ne3A_205 = arith.xori %lt3A_200, %ne3A_204 : vector<32x32xi1>
    %and3A_206 = arith.andi %ne3A_205, %ne3A_198 : vector<32x32xi1>
    %add3A_207 = vector.broadcast %select_n3A_193 : i32 to vector<32x32xi32>
    %add3A_208 = arith.addi %rem3A_195, %add3A_207 : vector<32x32xi32>
    %select_n3A_209 = arith.select %and3A_206, %add3A_208, %rem3A_195 : vector<32x32xi1>, vector<32x32xi32>
    %jit3A_210 = arith.constant 3 : i32
    %div3A_211 = vector.broadcast %jit3A_210 : i32 to vector<32x32xi32>
    %div3A_212 = arith.divsi %select_n3A_209, %div3A_211 : vector<32x32xi32>
    %sign3A_213 = arith.constant 0 : i32
    %sign3A_214 = vector.broadcast %sign3A_213 : i32 to vector<32x32xi32>
    %sign3A_215 = arith.cmpi sgt, %select_n3A_209, %sign3A_214 : vector<32x32xi32>
    %sign3A_216 = arith.extui %sign3A_215 : vector<32x32xi1> to vector<32x32xi32>
    %sign3A_217 = arith.constant 0 : i32
    %sign3A_218 = vector.broadcast %sign3A_217 : i32 to vector<32x32xi32>
    %sign3A_219 = arith.cmpi slt, %select_n3A_209, %sign3A_218 : vector<32x32xi32>
    %sign3A_220 = arith.extui %sign3A_219 : vector<32x32xi1> to vector<32x32xi32>
    %sign3A_221 = arith.subi %sign3A_216, %sign3A_220 : vector<32x32xi32>
    %sign3A_222 = arith.constant 0 : i32
    %sign3A_223 = arith.cmpi sgt, %jit3A_210, %sign3A_222 : i32
    %sign3A_224 = arith.extui %sign3A_223 : i1 to i32
    %sign3A_225 = arith.constant 0 : i32
    %sign3A_226 = arith.cmpi slt, %jit3A_210, %sign3A_225 : i32
    %sign3A_227 = arith.extui %sign3A_226 : i1 to i32
    %sign3A_228 = arith.subi %sign3A_224, %sign3A_227 : i32
    %ne3A_229 = vector.broadcast %sign3A_228 : i32 to vector<32x32xi32>
    %ne3A_230 = arith.cmpi ne, %sign3A_221, %ne3A_229 : vector<32x32xi32>
    %rem3A_231 = vector.broadcast %jit3A_210 : i32 to vector<32x32xi32>
    %rem3A_232 = arith.remsi %select_n3A_209, %rem3A_231 : vector<32x32xi32>
    %ne3A_233 = arith.constant 0 : i32
    %ne3A_234 = vector.broadcast %ne3A_233 : i32 to vector<32x32xi32>
    %ne3A_235 = arith.cmpi ne, %rem3A_232, %ne3A_234 : vector<32x32xi32>
    %and3A_236 = arith.andi %ne3A_230, %ne3A_235 : vector<32x32xi1>
    %sub3A_237 = arith.constant 1 : i32
    %sub3A_238 = vector.broadcast %sub3A_237 : i32 to vector<32x32xi32>
    %sub3A_239 = arith.subi %div3A_212, %sub3A_238 : vector<32x32xi32>
    %select_n3A_240 = arith.select %and3A_236, %sub3A_239, %div3A_212 : vector<32x32xi1>, vector<32x32xi32>
    %jit3A_241 = arith.constant 480 : i32
    %eq3A_242 = arith.constant 0 : i32
    %eq3A_243 = arith.cmpi eq, %jit3A_241, %eq3A_242 : i32
    %jit3A_244 = arith.constant 1 : i32
    %select_n3A_245 = arith.select %eq3A_243, %jit3A_244, %jit3A_241 : i32
    %rem3A_246 = vector.broadcast %select_n3A_245 : i32 to vector<32x32xi32>
    %rem3A_247 = arith.remsi %add3A_188, %rem3A_246 : vector<32x32xi32>
    %ne3A_248 = arith.constant 0 : i32
    %ne3A_249 = vector.broadcast %ne3A_248 : i32 to vector<32x32xi32>
    %ne3A_250 = arith.cmpi ne, %rem3A_247, %ne3A_249 : vector<32x32xi32>
    %lt3A_251 = arith.constant 0 : i32
    %lt3A_252 = vector.broadcast %lt3A_251 : i32 to vector<32x32xi32>
    %lt3A_253 = arith.cmpi slt, %rem3A_247, %lt3A_252 : vector<32x32xi32>
    %lt3A_254 = arith.constant 0 : i32
    %lt3A_255 = arith.cmpi slt, %select_n3A_245, %lt3A_254 : i32
    %ne3A_256 = vector.broadcast %lt3A_255 : i1 to vector<32x32xi1>
    %ne3A_257 = vector.broadcast %ne3A_256 : vector<32x32xi1> to vector<32x32xi1>
    %ne3A_258 = arith.xori %lt3A_253, %ne3A_257 : vector<32x32xi1>
    %and3A_259 = arith.andi %ne3A_258, %ne3A_250 : vector<32x32xi1>
    %add3A_260 = vector.broadcast %select_n3A_245 : i32 to vector<32x32xi32>
    %add3A_261 = arith.addi %rem3A_247, %add3A_260 : vector<32x32xi32>
    %select_n3A_262 = arith.select %and3A_259, %add3A_261, %rem3A_247 : vector<32x32xi1>, vector<32x32xi32>
    %jit3A_263 = arith.constant 48 : i32
    %div3A_264 = vector.broadcast %jit3A_263 : i32 to vector<32x32xi32>
    %div3A_265 = arith.divsi %select_n3A_262, %div3A_264 : vector<32x32xi32>
    %sign3A_266 = arith.constant 0 : i32
    %sign3A_267 = vector.broadcast %sign3A_266 : i32 to vector<32x32xi32>
    %sign3A_268 = arith.cmpi sgt, %select_n3A_262, %sign3A_267 : vector<32x32xi32>
    %sign3A_269 = arith.extui %sign3A_268 : vector<32x32xi1> to vector<32x32xi32>
    %sign3A_270 = arith.constant 0 : i32
    %sign3A_271 = vector.broadcast %sign3A_270 : i32 to vector<32x32xi32>
    %sign3A_272 = arith.cmpi slt, %select_n3A_262, %sign3A_271 : vector<32x32xi32>
    %sign3A_273 = arith.extui %sign3A_272 : vector<32x32xi1> to vector<32x32xi32>
    %sign3A_274 = arith.subi %sign3A_269, %sign3A_273 : vector<32x32xi32>
    %sign3A_275 = arith.constant 0 : i32
    %sign3A_276 = arith.cmpi sgt, %jit3A_263, %sign3A_275 : i32
    %sign3A_277 = arith.extui %sign3A_276 : i1 to i32
    %sign3A_278 = arith.constant 0 : i32
    %sign3A_279 = arith.cmpi slt, %jit3A_263, %sign3A_278 : i32
    %sign3A_280 = arith.extui %sign3A_279 : i1 to i32
    %sign3A_281 = arith.subi %sign3A_277, %sign3A_280 : i32
    %ne3A_282 = vector.broadcast %sign3A_281 : i32 to vector<32x32xi32>
    %ne3A_283 = arith.cmpi ne, %sign3A_274, %ne3A_282 : vector<32x32xi32>
    %rem3A_284 = vector.broadcast %jit3A_263 : i32 to vector<32x32xi32>
    %rem3A_285 = arith.remsi %select_n3A_262, %rem3A_284 : vector<32x32xi32>
    %ne3A_286 = arith.constant 0 : i32
    %ne3A_287 = vector.broadcast %ne3A_286 : i32 to vector<32x32xi32>
    %ne3A_288 = arith.cmpi ne, %rem3A_285, %ne3A_287 : vector<32x32xi32>
    %and3A_289 = arith.andi %ne3A_283, %ne3A_288 : vector<32x32xi1>
    %sub3A_290 = arith.constant 1 : i32
    %sub3A_291 = vector.broadcast %sub3A_290 : i32 to vector<32x32xi32>
    %sub3A_292 = arith.subi %div3A_265, %sub3A_291 : vector<32x32xi32>
    %select_n3A_293 = arith.select %and3A_289, %sub3A_292, %div3A_265 : vector<32x32xi1>, vector<32x32xi32>
    %lt3A_294 = arith.constant 480 : i32
    %lt3A_295 = vector.broadcast %lt3A_294 : i32 to vector<32x32xi32>
    %lt3A_296 = arith.cmpi slt, %add3A_188, %lt3A_295 : vector<32x32xi32>
    %broadcast_in_dim3A_297 = arith.constant 0 : i32
    %broadcast_in_dim3A_298 = vector.broadcast %broadcast_in_dim3A_297 : i32 to vector<32x32xi32>
    %slice3A_299 = vector.extract_strided_slice %reduce_min3A_48 {offsets = [0], sizes = [1], strides = [1]} : vector<16xi32> to vector<1xi32>
    %squeeze3A = vector.extract %slice3A_299[0] : i32 from vector<1xi32>
    %slice3A_300 = vector.extract_strided_slice %reduce_min3A_95 {offsets = [0], sizes = [1], strides = [1]} : vector<16xi32> to vector<1xi32>
    %squeeze3A_301 = vector.extract %slice3A_300[0] : i32 from vector<1xi32>
    %broadcast_in_dim3A_302 = vector.broadcast %squeeze3A : i32 to vector<32x32xi32>
    %broadcast_in_dim3A_303 = vector.broadcast %squeeze3A_301 : i32 to vector<32x32xi32>
    %select_n3A_304 = arith.select %lt3A_296, %broadcast_in_dim3A_302, %broadcast_in_dim3A_303 : vector<32x32xi1>, vector<32x32xi32>
    %eq3A_305 = arith.constant 0 : i32
    %eq3A_306 = vector.broadcast %eq3A_305 : i32 to vector<32x32xi32>
    %eq3A_307 = arith.cmpi eq, %select_n3A_209, %eq3A_306 : vector<32x32xi32>
    %select_n3A_308 = arith.select %eq3A_307, %select_n3A_304, %broadcast_in_dim3A_298 : vector<32x32xi1>, vector<32x32xi32>
    %slice3A_309 = vector.extract_strided_slice %reduce_min3A_64 {offsets = [0], sizes = [1], strides = [1]} : vector<16xi32> to vector<1xi32>
    %squeeze3A_310 = vector.extract %slice3A_309[0] : i32 from vector<1xi32>
    %slice3A_311 = vector.extract_strided_slice %reduce_min3A_111 {offsets = [0], sizes = [1], strides = [1]} : vector<16xi32> to vector<1xi32>
    %squeeze3A_312 = vector.extract %slice3A_311[0] : i32 from vector<1xi32>
    %broadcast_in_dim3A_313 = vector.broadcast %squeeze3A_310 : i32 to vector<32x32xi32>
    %broadcast_in_dim3A_314 = vector.broadcast %squeeze3A_312 : i32 to vector<32x32xi32>
    %select_n3A_315 = arith.select %lt3A_296, %broadcast_in_dim3A_313, %broadcast_in_dim3A_314 : vector<32x32xi1>, vector<32x32xi32>
    %eq3A_316 = arith.constant 1 : i32
    %eq3A_317 = vector.broadcast %eq3A_316 : i32 to vector<32x32xi32>
    %eq3A_318 = arith.cmpi eq, %select_n3A_209, %eq3A_317 : vector<32x32xi32>
    %select_n3A_319 = arith.select %eq3A_318, %select_n3A_315, %select_n3A_308 : vector<32x32xi1>, vector<32x32xi32>
    %slice3A_320 = vector.extract_strided_slice %reduce_min3A_80 {offsets = [0], sizes = [1], strides = [1]} : vector<16xi32> to vector<1xi32>
    %squeeze3A_321 = vector.extract %slice3A_320[0] : i32 from vector<1xi32>
    %slice3A_322 = vector.extract_strided_slice %reduce_min3A_127 {offsets = [0], sizes = [1], strides = [1]} : vector<16xi32> to vector<1xi32>
    %squeeze3A_323 = vector.extract %slice3A_322[0] : i32 from vector<1xi32>
    %broadcast_in_dim3A_324 = vector.broadcast %squeeze3A_321 : i32 to vector<32x32xi32>
    %broadcast_in_dim3A_325 = vector.broadcast %squeeze3A_323 : i32 to vector<32x32xi32>
    %select_n3A_326 = arith.select %lt3A_296, %broadcast_in_dim3A_324, %broadcast_in_dim3A_325 : vector<32x32xi1>, vector<32x32xi32>
    %eq3A_327 = arith.constant 2 : i32
    %eq3A_328 = vector.broadcast %eq3A_327 : i32 to vector<32x32xi32>
    %eq3A_329 = arith.cmpi eq, %select_n3A_209, %eq3A_328 : vector<32x32xi32>
    %select_n3A_330 = arith.select %eq3A_329, %select_n3A_326, %select_n3A_319 : vector<32x32xi1>, vector<32x32xi32>
    %slice3A_331 = vector.extract_strided_slice %reduce_min3A_48 {offsets = [1], sizes = [1], strides = [1]} : vector<16xi32> to vector<1xi32>
    %squeeze3A_332 = vector.extract %slice3A_331[0] : i32 from vector<1xi32>
    %slice3A_333 = vector.extract_strided_slice %reduce_min3A_95 {offsets = [1], sizes = [1], strides = [1]} : vector<16xi32> to vector<1xi32>
    %squeeze3A_334 = vector.extract %slice3A_333[0] : i32 from vector<1xi32>
    %broadcast_in_dim3A_335 = vector.broadcast %squeeze3A_332 : i32 to vector<32x32xi32>
    %broadcast_in_dim3A_336 = vector.broadcast %squeeze3A_334 : i32 to vector<32x32xi32>
    %select_n3A_337 = arith.select %lt3A_296, %broadcast_in_dim3A_335, %broadcast_in_dim3A_336 : vector<32x32xi1>, vector<32x32xi32>
    %eq3A_338 = arith.constant 3 : i32
    %eq3A_339 = vector.broadcast %eq3A_338 : i32 to vector<32x32xi32>
    %eq3A_340 = arith.cmpi eq, %select_n3A_209, %eq3A_339 : vector<32x32xi32>
    %select_n3A_341 = arith.select %eq3A_340, %select_n3A_337, %select_n3A_330 : vector<32x32xi1>, vector<32x32xi32>
    %slice3A_342 = vector.extract_strided_slice %reduce_min3A_64 {offsets = [1], sizes = [1], strides = [1]} : vector<16xi32> to vector<1xi32>
    %squeeze3A_343 = vector.extract %slice3A_342[0] : i32 from vector<1xi32>
    %slice3A_344 = vector.extract_strided_slice %reduce_min3A_111 {offsets = [1], sizes = [1], strides = [1]} : vector<16xi32> to vector<1xi32>
    %squeeze3A_345 = vector.extract %slice3A_344[0] : i32 from vector<1xi32>
    %broadcast_in_dim3A_346 = vector.broadcast %squeeze3A_343 : i32 to vector<32x32xi32>
    %broadcast_in_dim3A_347 = vector.broadcast %squeeze3A_345 : i32 to vector<32x32xi32>
    %select_n3A_348 = arith.select %lt3A_296, %broadcast_in_dim3A_346, %broadcast_in_dim3A_347 : vector<32x32xi1>, vector<32x32xi32>
    %eq3A_349 = arith.constant 4 : i32
    %eq3A_350 = vector.broadcast %eq3A_349 : i32 to vector<32x32xi32>
    %eq3A_351 = arith.cmpi eq, %select_n3A_209, %eq3A_350 : vector<32x32xi32>
    %select_n3A_352 = arith.select %eq3A_351, %select_n3A_348, %select_n3A_341 : vector<32x32xi1>, vector<32x32xi32>
    %slice3A_353 = vector.extract_strided_slice %reduce_min3A_80 {offsets = [1], sizes = [1], strides = [1]} : vector<16xi32> to vector<1xi32>
    %squeeze3A_354 = vector.extract %slice3A_353[0] : i32 from vector<1xi32>
    %slice3A_355 = vector.extract_strided_slice %reduce_min3A_127 {offsets = [1], sizes = [1], strides = [1]} : vector<16xi32> to vector<1xi32>
    %squeeze3A_356 = vector.extract %slice3A_355[0] : i32 from vector<1xi32>
    %broadcast_in_dim3A_357 = vector.broadcast %squeeze3A_354 : i32 to vector<32x32xi32>
    %broadcast_in_dim3A_358 = vector.broadcast %squeeze3A_356 : i32 to vector<32x32xi32>
    %select_n3A_359 = arith.select %lt3A_296, %broadcast_in_dim3A_357, %broadcast_in_dim3A_358 : vector<32x32xi1>, vector<32x32xi32>
    %eq3A_360 = arith.constant 5 : i32
    %eq3A_361 = vector.broadcast %eq3A_360 : i32 to vector<32x32xi32>
    %eq3A_362 = arith.cmpi eq, %select_n3A_209, %eq3A_361 : vector<32x32xi32>
    %select_n3A_363 = arith.select %eq3A_362, %select_n3A_359, %select_n3A_352 : vector<32x32xi1>, vector<32x32xi32>
    %slice3A_364 = vector.extract_strided_slice %reduce_min3A_48 {offsets = [2], sizes = [1], strides = [1]} : vector<16xi32> to vector<1xi32>
    %squeeze3A_365 = vector.extract %slice3A_364[0] : i32 from vector<1xi32>
    %slice3A_366 = vector.extract_strided_slice %reduce_min3A_95 {offsets = [2], sizes = [1], strides = [1]} : vector<16xi32> to vector<1xi32>
    %squeeze3A_367 = vector.extract %slice3A_366[0] : i32 from vector<1xi32>
    %broadcast_in_dim3A_368 = vector.broadcast %squeeze3A_365 : i32 to vector<32x32xi32>
    %broadcast_in_dim3A_369 = vector.broadcast %squeeze3A_367 : i32 to vector<32x32xi32>
    %select_n3A_370 = arith.select %lt3A_296, %broadcast_in_dim3A_368, %broadcast_in_dim3A_369 : vector<32x32xi1>, vector<32x32xi32>
    %eq3A_371 = arith.constant 6 : i32
    %eq3A_372 = vector.broadcast %eq3A_371 : i32 to vector<32x32xi32>
    %eq3A_373 = arith.cmpi eq, %select_n3A_209, %eq3A_372 : vector<32x32xi32>
    %select_n3A_374 = arith.select %eq3A_373, %select_n3A_370, %select_n3A_363 : vector<32x32xi1>, vector<32x32xi32>
    %slice3A_375 = vector.extract_strided_slice %reduce_min3A_64 {offsets = [2], sizes = [1], strides = [1]} : vector<16xi32> to vector<1xi32>
    %squeeze3A_376 = vector.extract %slice3A_375[0] : i32 from vector<1xi32>
    %slice3A_377 = vector.extract_strided_slice %reduce_min3A_111 {offsets = [2], sizes = [1], strides = [1]} : vector<16xi32> to vector<1xi32>
    %squeeze3A_378 = vector.extract %slice3A_377[0] : i32 from vector<1xi32>
    %broadcast_in_dim3A_379 = vector.broadcast %squeeze3A_376 : i32 to vector<32x32xi32>
    %broadcast_in_dim3A_380 = vector.broadcast %squeeze3A_378 : i32 to vector<32x32xi32>
    %select_n3A_381 = arith.select %lt3A_296, %broadcast_in_dim3A_379, %broadcast_in_dim3A_380 : vector<32x32xi1>, vector<32x32xi32>
    %eq3A_382 = arith.constant 7 : i32
    %eq3A_383 = vector.broadcast %eq3A_382 : i32 to vector<32x32xi32>
    %eq3A_384 = arith.cmpi eq, %select_n3A_209, %eq3A_383 : vector<32x32xi32>
    %select_n3A_385 = arith.select %eq3A_384, %select_n3A_381, %select_n3A_374 : vector<32x32xi1>, vector<32x32xi32>
    %slice3A_386 = vector.extract_strided_slice %reduce_min3A_80 {offsets = [2], sizes = [1], strides = [1]} : vector<16xi32> to vector<1xi32>
    %squeeze3A_387 = vector.extract %slice3A_386[0] : i32 from vector<1xi32>
    %slice3A_388 = vector.extract_strided_slice %reduce_min3A_127 {offsets = [2], sizes = [1], strides = [1]} : vector<16xi32> to vector<1xi32>
    %squeeze3A_389 = vector.extract %slice3A_388[0] : i32 from vector<1xi32>
    %broadcast_in_dim3A_390 = vector.broadcast %squeeze3A_387 : i32 to vector<32x32xi32>
    %broadcast_in_dim3A_391 = vector.broadcast %squeeze3A_389 : i32 to vector<32x32xi32>
    %select_n3A_392 = arith.select %lt3A_296, %broadcast_in_dim3A_390, %broadcast_in_dim3A_391 : vector<32x32xi1>, vector<32x32xi32>
    %eq3A_393 = arith.constant 8 : i32
    %eq3A_394 = vector.broadcast %eq3A_393 : i32 to vector<32x32xi32>
    %eq3A_395 = arith.cmpi eq, %select_n3A_209, %eq3A_394 : vector<32x32xi32>
    %select_n3A_396 = arith.select %eq3A_395, %select_n3A_392, %select_n3A_385 : vector<32x32xi1>, vector<32x32xi32>
    %slice3A_397 = vector.extract_strided_slice %reduce_min3A_48 {offsets = [3], sizes = [1], strides = [1]} : vector<16xi32> to vector<1xi32>
    %squeeze3A_398 = vector.extract %slice3A_397[0] : i32 from vector<1xi32>
    %slice3A_399 = vector.extract_strided_slice %reduce_min3A_95 {offsets = [3], sizes = [1], strides = [1]} : vector<16xi32> to vector<1xi32>
    %squeeze3A_400 = vector.extract %slice3A_399[0] : i32 from vector<1xi32>
    %broadcast_in_dim3A_401 = vector.broadcast %squeeze3A_398 : i32 to vector<32x32xi32>
    %broadcast_in_dim3A_402 = vector.broadcast %squeeze3A_400 : i32 to vector<32x32xi32>
    %select_n3A_403 = arith.select %lt3A_296, %broadcast_in_dim3A_401, %broadcast_in_dim3A_402 : vector<32x32xi1>, vector<32x32xi32>
    %eq3A_404 = arith.constant 9 : i32
    %eq3A_405 = vector.broadcast %eq3A_404 : i32 to vector<32x32xi32>
    %eq3A_406 = arith.cmpi eq, %select_n3A_209, %eq3A_405 : vector<32x32xi32>
    %select_n3A_407 = arith.select %eq3A_406, %select_n3A_403, %select_n3A_396 : vector<32x32xi1>, vector<32x32xi32>
    %slice3A_408 = vector.extract_strided_slice %reduce_min3A_64 {offsets = [3], sizes = [1], strides = [1]} : vector<16xi32> to vector<1xi32>
    %squeeze3A_409 = vector.extract %slice3A_408[0] : i32 from vector<1xi32>
    %slice3A_410 = vector.extract_strided_slice %reduce_min3A_111 {offsets = [3], sizes = [1], strides = [1]} : vector<16xi32> to vector<1xi32>
    %squeeze3A_411 = vector.extract %slice3A_410[0] : i32 from vector<1xi32>
    %broadcast_in_dim3A_412 = vector.broadcast %squeeze3A_409 : i32 to vector<32x32xi32>
    %broadcast_in_dim3A_413 = vector.broadcast %squeeze3A_411 : i32 to vector<32x32xi32>
    %select_n3A_414 = arith.select %lt3A_296, %broadcast_in_dim3A_412, %broadcast_in_dim3A_413 : vector<32x32xi1>, vector<32x32xi32>
    %eq3A_415 = arith.constant 10 : i32
    %eq3A_416 = vector.broadcast %eq3A_415 : i32 to vector<32x32xi32>
    %eq3A_417 = arith.cmpi eq, %select_n3A_209, %eq3A_416 : vector<32x32xi32>
    %select_n3A_418 = arith.select %eq3A_417, %select_n3A_414, %select_n3A_407 : vector<32x32xi1>, vector<32x32xi32>
    %slice3A_419 = vector.extract_strided_slice %reduce_min3A_80 {offsets = [3], sizes = [1], strides = [1]} : vector<16xi32> to vector<1xi32>
    %squeeze3A_420 = vector.extract %slice3A_419[0] : i32 from vector<1xi32>
    %slice3A_421 = vector.extract_strided_slice %reduce_min3A_127 {offsets = [3], sizes = [1], strides = [1]} : vector<16xi32> to vector<1xi32>
    %squeeze3A_422 = vector.extract %slice3A_421[0] : i32 from vector<1xi32>
    %broadcast_in_dim3A_423 = vector.broadcast %squeeze3A_420 : i32 to vector<32x32xi32>
    %broadcast_in_dim3A_424 = vector.broadcast %squeeze3A_422 : i32 to vector<32x32xi32>
    %select_n3A_425 = arith.select %lt3A_296, %broadcast_in_dim3A_423, %broadcast_in_dim3A_424 : vector<32x32xi1>, vector<32x32xi32>
    %eq3A_426 = arith.constant 11 : i32
    %eq3A_427 = vector.broadcast %eq3A_426 : i32 to vector<32x32xi32>
    %eq3A_428 = arith.cmpi eq, %select_n3A_209, %eq3A_427 : vector<32x32xi32>
    %select_n3A_429 = arith.select %eq3A_428, %select_n3A_425, %select_n3A_418 : vector<32x32xi1>, vector<32x32xi32>
    %slice3A_430 = vector.extract_strided_slice %reduce_min3A_48 {offsets = [4], sizes = [1], strides = [1]} : vector<16xi32> to vector<1xi32>
    %squeeze3A_431 = vector.extract %slice3A_430[0] : i32 from vector<1xi32>
    %slice3A_432 = vector.extract_strided_slice %reduce_min3A_95 {offsets = [4], sizes = [1], strides = [1]} : vector<16xi32> to vector<1xi32>
    %squeeze3A_433 = vector.extract %slice3A_432[0] : i32 from vector<1xi32>
    %broadcast_in_dim3A_434 = vector.broadcast %squeeze3A_431 : i32 to vector<32x32xi32>
    %broadcast_in_dim3A_435 = vector.broadcast %squeeze3A_433 : i32 to vector<32x32xi32>
    %select_n3A_436 = arith.select %lt3A_296, %broadcast_in_dim3A_434, %broadcast_in_dim3A_435 : vector<32x32xi1>, vector<32x32xi32>
    %eq3A_437 = arith.constant 12 : i32
    %eq3A_438 = vector.broadcast %eq3A_437 : i32 to vector<32x32xi32>
    %eq3A_439 = arith.cmpi eq, %select_n3A_209, %eq3A_438 : vector<32x32xi32>
    %select_n3A_440 = arith.select %eq3A_439, %select_n3A_436, %select_n3A_429 : vector<32x32xi1>, vector<32x32xi32>
    %slice3A_441 = vector.extract_strided_slice %reduce_min3A_64 {offsets = [4], sizes = [1], strides = [1]} : vector<16xi32> to vector<1xi32>
    %squeeze3A_442 = vector.extract %slice3A_441[0] : i32 from vector<1xi32>
    %slice3A_443 = vector.extract_strided_slice %reduce_min3A_111 {offsets = [4], sizes = [1], strides = [1]} : vector<16xi32> to vector<1xi32>
    %squeeze3A_444 = vector.extract %slice3A_443[0] : i32 from vector<1xi32>
    %broadcast_in_dim3A_445 = vector.broadcast %squeeze3A_442 : i32 to vector<32x32xi32>
    %broadcast_in_dim3A_446 = vector.broadcast %squeeze3A_444 : i32 to vector<32x32xi32>
    %select_n3A_447 = arith.select %lt3A_296, %broadcast_in_dim3A_445, %broadcast_in_dim3A_446 : vector<32x32xi1>, vector<32x32xi32>
    %eq3A_448 = arith.constant 13 : i32
    %eq3A_449 = vector.broadcast %eq3A_448 : i32 to vector<32x32xi32>
    %eq3A_450 = arith.cmpi eq, %select_n3A_209, %eq3A_449 : vector<32x32xi32>
    %select_n3A_451 = arith.select %eq3A_450, %select_n3A_447, %select_n3A_440 : vector<32x32xi1>, vector<32x32xi32>
    %slice3A_452 = vector.extract_strided_slice %reduce_min3A_80 {offsets = [4], sizes = [1], strides = [1]} : vector<16xi32> to vector<1xi32>
    %squeeze3A_453 = vector.extract %slice3A_452[0] : i32 from vector<1xi32>
    %slice3A_454 = vector.extract_strided_slice %reduce_min3A_127 {offsets = [4], sizes = [1], strides = [1]} : vector<16xi32> to vector<1xi32>
    %squeeze3A_455 = vector.extract %slice3A_454[0] : i32 from vector<1xi32>
    %broadcast_in_dim3A_456 = vector.broadcast %squeeze3A_453 : i32 to vector<32x32xi32>
    %broadcast_in_dim3A_457 = vector.broadcast %squeeze3A_455 : i32 to vector<32x32xi32>
    %select_n3A_458 = arith.select %lt3A_296, %broadcast_in_dim3A_456, %broadcast_in_dim3A_457 : vector<32x32xi1>, vector<32x32xi32>
    %eq3A_459 = arith.constant 14 : i32
    %eq3A_460 = vector.broadcast %eq3A_459 : i32 to vector<32x32xi32>
    %eq3A_461 = arith.cmpi eq, %select_n3A_209, %eq3A_460 : vector<32x32xi32>
    %select_n3A_462 = arith.select %eq3A_461, %select_n3A_458, %select_n3A_451 : vector<32x32xi1>, vector<32x32xi32>
    %slice3A_463 = vector.extract_strided_slice %reduce_min3A_48 {offsets = [5], sizes = [1], strides = [1]} : vector<16xi32> to vector<1xi32>
    %squeeze3A_464 = vector.extract %slice3A_463[0] : i32 from vector<1xi32>
    %slice3A_465 = vector.extract_strided_slice %reduce_min3A_95 {offsets = [5], sizes = [1], strides = [1]} : vector<16xi32> to vector<1xi32>
    %squeeze3A_466 = vector.extract %slice3A_465[0] : i32 from vector<1xi32>
    %broadcast_in_dim3A_467 = vector.broadcast %squeeze3A_464 : i32 to vector<32x32xi32>
    %broadcast_in_dim3A_468 = vector.broadcast %squeeze3A_466 : i32 to vector<32x32xi32>
    %select_n3A_469 = arith.select %lt3A_296, %broadcast_in_dim3A_467, %broadcast_in_dim3A_468 : vector<32x32xi1>, vector<32x32xi32>
    %eq3A_470 = arith.constant 15 : i32
    %eq3A_471 = vector.broadcast %eq3A_470 : i32 to vector<32x32xi32>
    %eq3A_472 = arith.cmpi eq, %select_n3A_209, %eq3A_471 : vector<32x32xi32>
    %select_n3A_473 = arith.select %eq3A_472, %select_n3A_469, %select_n3A_462 : vector<32x32xi1>, vector<32x32xi32>
    %slice3A_474 = vector.extract_strided_slice %reduce_min3A_64 {offsets = [5], sizes = [1], strides = [1]} : vector<16xi32> to vector<1xi32>
    %squeeze3A_475 = vector.extract %slice3A_474[0] : i32 from vector<1xi32>
    %slice3A_476 = vector.extract_strided_slice %reduce_min3A_111 {offsets = [5], sizes = [1], strides = [1]} : vector<16xi32> to vector<1xi32>
    %squeeze3A_477 = vector.extract %slice3A_476[0] : i32 from vector<1xi32>
    %broadcast_in_dim3A_478 = vector.broadcast %squeeze3A_475 : i32 to vector<32x32xi32>
    %broadcast_in_dim3A_479 = vector.broadcast %squeeze3A_477 : i32 to vector<32x32xi32>
    %select_n3A_480 = arith.select %lt3A_296, %broadcast_in_dim3A_478, %broadcast_in_dim3A_479 : vector<32x32xi1>, vector<32x32xi32>
    %eq3A_481 = arith.constant 16 : i32
    %eq3A_482 = vector.broadcast %eq3A_481 : i32 to vector<32x32xi32>
    %eq3A_483 = arith.cmpi eq, %select_n3A_209, %eq3A_482 : vector<32x32xi32>
    %select_n3A_484 = arith.select %eq3A_483, %select_n3A_480, %select_n3A_473 : vector<32x32xi1>, vector<32x32xi32>
    %slice3A_485 = vector.extract_strided_slice %reduce_min3A_80 {offsets = [5], sizes = [1], strides = [1]} : vector<16xi32> to vector<1xi32>
    %squeeze3A_486 = vector.extract %slice3A_485[0] : i32 from vector<1xi32>
    %slice3A_487 = vector.extract_strided_slice %reduce_min3A_127 {offsets = [5], sizes = [1], strides = [1]} : vector<16xi32> to vector<1xi32>
    %squeeze3A_488 = vector.extract %slice3A_487[0] : i32 from vector<1xi32>
    %broadcast_in_dim3A_489 = vector.broadcast %squeeze3A_486 : i32 to vector<32x32xi32>
    %broadcast_in_dim3A_490 = vector.broadcast %squeeze3A_488 : i32 to vector<32x32xi32>
    %select_n3A_491 = arith.select %lt3A_296, %broadcast_in_dim3A_489, %broadcast_in_dim3A_490 : vector<32x32xi1>, vector<32x32xi32>
    %eq3A_492 = arith.constant 17 : i32
    %eq3A_493 = vector.broadcast %eq3A_492 : i32 to vector<32x32xi32>
    %eq3A_494 = arith.cmpi eq, %select_n3A_209, %eq3A_493 : vector<32x32xi32>
    %select_n3A_495 = arith.select %eq3A_494, %select_n3A_491, %select_n3A_484 : vector<32x32xi1>, vector<32x32xi32>
    %slice3A_496 = vector.extract_strided_slice %reduce_min3A_48 {offsets = [6], sizes = [1], strides = [1]} : vector<16xi32> to vector<1xi32>
    %squeeze3A_497 = vector.extract %slice3A_496[0] : i32 from vector<1xi32>
    %slice3A_498 = vector.extract_strided_slice %reduce_min3A_95 {offsets = [6], sizes = [1], strides = [1]} : vector<16xi32> to vector<1xi32>
    %squeeze3A_499 = vector.extract %slice3A_498[0] : i32 from vector<1xi32>
    %broadcast_in_dim3A_500 = vector.broadcast %squeeze3A_497 : i32 to vector<32x32xi32>
    %broadcast_in_dim3A_501 = vector.broadcast %squeeze3A_499 : i32 to vector<32x32xi32>
    %select_n3A_502 = arith.select %lt3A_296, %broadcast_in_dim3A_500, %broadcast_in_dim3A_501 : vector<32x32xi1>, vector<32x32xi32>
    %eq3A_503 = arith.constant 18 : i32
    %eq3A_504 = vector.broadcast %eq3A_503 : i32 to vector<32x32xi32>
    %eq3A_505 = arith.cmpi eq, %select_n3A_209, %eq3A_504 : vector<32x32xi32>
    %select_n3A_506 = arith.select %eq3A_505, %select_n3A_502, %select_n3A_495 : vector<32x32xi1>, vector<32x32xi32>
    %slice3A_507 = vector.extract_strided_slice %reduce_min3A_64 {offsets = [6], sizes = [1], strides = [1]} : vector<16xi32> to vector<1xi32>
    %squeeze3A_508 = vector.extract %slice3A_507[0] : i32 from vector<1xi32>
    %slice3A_509 = vector.extract_strided_slice %reduce_min3A_111 {offsets = [6], sizes = [1], strides = [1]} : vector<16xi32> to vector<1xi32>
    %squeeze3A_510 = vector.extract %slice3A_509[0] : i32 from vector<1xi32>
    %broadcast_in_dim3A_511 = vector.broadcast %squeeze3A_508 : i32 to vector<32x32xi32>
    %broadcast_in_dim3A_512 = vector.broadcast %squeeze3A_510 : i32 to vector<32x32xi32>
    %select_n3A_513 = arith.select %lt3A_296, %broadcast_in_dim3A_511, %broadcast_in_dim3A_512 : vector<32x32xi1>, vector<32x32xi32>
    %eq3A_514 = arith.constant 19 : i32
    %eq3A_515 = vector.broadcast %eq3A_514 : i32 to vector<32x32xi32>
    %eq3A_516 = arith.cmpi eq, %select_n3A_209, %eq3A_515 : vector<32x32xi32>
    %select_n3A_517 = arith.select %eq3A_516, %select_n3A_513, %select_n3A_506 : vector<32x32xi1>, vector<32x32xi32>
    %slice3A_518 = vector.extract_strided_slice %reduce_min3A_80 {offsets = [6], sizes = [1], strides = [1]} : vector<16xi32> to vector<1xi32>
    %squeeze3A_519 = vector.extract %slice3A_518[0] : i32 from vector<1xi32>
    %slice3A_520 = vector.extract_strided_slice %reduce_min3A_127 {offsets = [6], sizes = [1], strides = [1]} : vector<16xi32> to vector<1xi32>
    %squeeze3A_521 = vector.extract %slice3A_520[0] : i32 from vector<1xi32>
    %broadcast_in_dim3A_522 = vector.broadcast %squeeze3A_519 : i32 to vector<32x32xi32>
    %broadcast_in_dim3A_523 = vector.broadcast %squeeze3A_521 : i32 to vector<32x32xi32>
    %select_n3A_524 = arith.select %lt3A_296, %broadcast_in_dim3A_522, %broadcast_in_dim3A_523 : vector<32x32xi1>, vector<32x32xi32>
    %eq3A_525 = arith.constant 20 : i32
    %eq3A_526 = vector.broadcast %eq3A_525 : i32 to vector<32x32xi32>
    %eq3A_527 = arith.cmpi eq, %select_n3A_209, %eq3A_526 : vector<32x32xi32>
    %select_n3A_528 = arith.select %eq3A_527, %select_n3A_524, %select_n3A_517 : vector<32x32xi1>, vector<32x32xi32>
    %slice3A_529 = vector.extract_strided_slice %reduce_min3A_48 {offsets = [7], sizes = [1], strides = [1]} : vector<16xi32> to vector<1xi32>
    %squeeze3A_530 = vector.extract %slice3A_529[0] : i32 from vector<1xi32>
    %slice3A_531 = vector.extract_strided_slice %reduce_min3A_95 {offsets = [7], sizes = [1], strides = [1]} : vector<16xi32> to vector<1xi32>
    %squeeze3A_532 = vector.extract %slice3A_531[0] : i32 from vector<1xi32>
    %broadcast_in_dim3A_533 = vector.broadcast %squeeze3A_530 : i32 to vector<32x32xi32>
    %broadcast_in_dim3A_534 = vector.broadcast %squeeze3A_532 : i32 to vector<32x32xi32>
    %select_n3A_535 = arith.select %lt3A_296, %broadcast_in_dim3A_533, %broadcast_in_dim3A_534 : vector<32x32xi1>, vector<32x32xi32>
    %eq3A_536 = arith.constant 21 : i32
    %eq3A_537 = vector.broadcast %eq3A_536 : i32 to vector<32x32xi32>
    %eq3A_538 = arith.cmpi eq, %select_n3A_209, %eq3A_537 : vector<32x32xi32>
    %select_n3A_539 = arith.select %eq3A_538, %select_n3A_535, %select_n3A_528 : vector<32x32xi1>, vector<32x32xi32>
    %slice3A_540 = vector.extract_strided_slice %reduce_min3A_64 {offsets = [7], sizes = [1], strides = [1]} : vector<16xi32> to vector<1xi32>
    %squeeze3A_541 = vector.extract %slice3A_540[0] : i32 from vector<1xi32>
    %slice3A_542 = vector.extract_strided_slice %reduce_min3A_111 {offsets = [7], sizes = [1], strides = [1]} : vector<16xi32> to vector<1xi32>
    %squeeze3A_543 = vector.extract %slice3A_542[0] : i32 from vector<1xi32>
    %broadcast_in_dim3A_544 = vector.broadcast %squeeze3A_541 : i32 to vector<32x32xi32>
    %broadcast_in_dim3A_545 = vector.broadcast %squeeze3A_543 : i32 to vector<32x32xi32>
    %select_n3A_546 = arith.select %lt3A_296, %broadcast_in_dim3A_544, %broadcast_in_dim3A_545 : vector<32x32xi1>, vector<32x32xi32>
    %eq3A_547 = arith.constant 22 : i32
    %eq3A_548 = vector.broadcast %eq3A_547 : i32 to vector<32x32xi32>
    %eq3A_549 = arith.cmpi eq, %select_n3A_209, %eq3A_548 : vector<32x32xi32>
    %select_n3A_550 = arith.select %eq3A_549, %select_n3A_546, %select_n3A_539 : vector<32x32xi1>, vector<32x32xi32>
    %slice3A_551 = vector.extract_strided_slice %reduce_min3A_80 {offsets = [7], sizes = [1], strides = [1]} : vector<16xi32> to vector<1xi32>
    %squeeze3A_552 = vector.extract %slice3A_551[0] : i32 from vector<1xi32>
    %slice3A_553 = vector.extract_strided_slice %reduce_min3A_127 {offsets = [7], sizes = [1], strides = [1]} : vector<16xi32> to vector<1xi32>
    %squeeze3A_554 = vector.extract %slice3A_553[0] : i32 from vector<1xi32>
    %broadcast_in_dim3A_555 = vector.broadcast %squeeze3A_552 : i32 to vector<32x32xi32>
    %broadcast_in_dim3A_556 = vector.broadcast %squeeze3A_554 : i32 to vector<32x32xi32>
    %select_n3A_557 = arith.select %lt3A_296, %broadcast_in_dim3A_555, %broadcast_in_dim3A_556 : vector<32x32xi1>, vector<32x32xi32>
    %eq3A_558 = arith.constant 23 : i32
    %eq3A_559 = vector.broadcast %eq3A_558 : i32 to vector<32x32xi32>
    %eq3A_560 = arith.cmpi eq, %select_n3A_209, %eq3A_559 : vector<32x32xi32>
    %select_n3A_561 = arith.select %eq3A_560, %select_n3A_557, %select_n3A_550 : vector<32x32xi1>, vector<32x32xi32>
    %slice3A_562 = vector.extract_strided_slice %reduce_min3A_48 {offsets = [8], sizes = [1], strides = [1]} : vector<16xi32> to vector<1xi32>
    %squeeze3A_563 = vector.extract %slice3A_562[0] : i32 from vector<1xi32>
    %slice3A_564 = vector.extract_strided_slice %reduce_min3A_95 {offsets = [8], sizes = [1], strides = [1]} : vector<16xi32> to vector<1xi32>
    %squeeze3A_565 = vector.extract %slice3A_564[0] : i32 from vector<1xi32>
    %broadcast_in_dim3A_566 = vector.broadcast %squeeze3A_563 : i32 to vector<32x32xi32>
    %broadcast_in_dim3A_567 = vector.broadcast %squeeze3A_565 : i32 to vector<32x32xi32>
    %select_n3A_568 = arith.select %lt3A_296, %broadcast_in_dim3A_566, %broadcast_in_dim3A_567 : vector<32x32xi1>, vector<32x32xi32>
    %eq3A_569 = arith.constant 24 : i32
    %eq3A_570 = vector.broadcast %eq3A_569 : i32 to vector<32x32xi32>
    %eq3A_571 = arith.cmpi eq, %select_n3A_209, %eq3A_570 : vector<32x32xi32>
    %select_n3A_572 = arith.select %eq3A_571, %select_n3A_568, %select_n3A_561 : vector<32x32xi1>, vector<32x32xi32>
    %slice3A_573 = vector.extract_strided_slice %reduce_min3A_64 {offsets = [8], sizes = [1], strides = [1]} : vector<16xi32> to vector<1xi32>
    %squeeze3A_574 = vector.extract %slice3A_573[0] : i32 from vector<1xi32>
    %slice3A_575 = vector.extract_strided_slice %reduce_min3A_111 {offsets = [8], sizes = [1], strides = [1]} : vector<16xi32> to vector<1xi32>
    %squeeze3A_576 = vector.extract %slice3A_575[0] : i32 from vector<1xi32>
    %broadcast_in_dim3A_577 = vector.broadcast %squeeze3A_574 : i32 to vector<32x32xi32>
    %broadcast_in_dim3A_578 = vector.broadcast %squeeze3A_576 : i32 to vector<32x32xi32>
    %select_n3A_579 = arith.select %lt3A_296, %broadcast_in_dim3A_577, %broadcast_in_dim3A_578 : vector<32x32xi1>, vector<32x32xi32>
    %eq3A_580 = arith.constant 25 : i32
    %eq3A_581 = vector.broadcast %eq3A_580 : i32 to vector<32x32xi32>
    %eq3A_582 = arith.cmpi eq, %select_n3A_209, %eq3A_581 : vector<32x32xi32>
    %select_n3A_583 = arith.select %eq3A_582, %select_n3A_579, %select_n3A_572 : vector<32x32xi1>, vector<32x32xi32>
    %slice3A_584 = vector.extract_strided_slice %reduce_min3A_80 {offsets = [8], sizes = [1], strides = [1]} : vector<16xi32> to vector<1xi32>
    %squeeze3A_585 = vector.extract %slice3A_584[0] : i32 from vector<1xi32>
    %slice3A_586 = vector.extract_strided_slice %reduce_min3A_127 {offsets = [8], sizes = [1], strides = [1]} : vector<16xi32> to vector<1xi32>
    %squeeze3A_587 = vector.extract %slice3A_586[0] : i32 from vector<1xi32>
    %broadcast_in_dim3A_588 = vector.broadcast %squeeze3A_585 : i32 to vector<32x32xi32>
    %broadcast_in_dim3A_589 = vector.broadcast %squeeze3A_587 : i32 to vector<32x32xi32>
    %select_n3A_590 = arith.select %lt3A_296, %broadcast_in_dim3A_588, %broadcast_in_dim3A_589 : vector<32x32xi1>, vector<32x32xi32>
    %eq3A_591 = arith.constant 26 : i32
    %eq3A_592 = vector.broadcast %eq3A_591 : i32 to vector<32x32xi32>
    %eq3A_593 = arith.cmpi eq, %select_n3A_209, %eq3A_592 : vector<32x32xi32>
    %select_n3A_594 = arith.select %eq3A_593, %select_n3A_590, %select_n3A_583 : vector<32x32xi1>, vector<32x32xi32>
    %slice3A_595 = vector.extract_strided_slice %reduce_min3A_48 {offsets = [9], sizes = [1], strides = [1]} : vector<16xi32> to vector<1xi32>
    %squeeze3A_596 = vector.extract %slice3A_595[0] : i32 from vector<1xi32>
    %slice3A_597 = vector.extract_strided_slice %reduce_min3A_95 {offsets = [9], sizes = [1], strides = [1]} : vector<16xi32> to vector<1xi32>
    %squeeze3A_598 = vector.extract %slice3A_597[0] : i32 from vector<1xi32>
    %broadcast_in_dim3A_599 = vector.broadcast %squeeze3A_596 : i32 to vector<32x32xi32>
    %broadcast_in_dim3A_600 = vector.broadcast %squeeze3A_598 : i32 to vector<32x32xi32>
    %select_n3A_601 = arith.select %lt3A_296, %broadcast_in_dim3A_599, %broadcast_in_dim3A_600 : vector<32x32xi1>, vector<32x32xi32>
    %eq3A_602 = arith.constant 27 : i32
    %eq3A_603 = vector.broadcast %eq3A_602 : i32 to vector<32x32xi32>
    %eq3A_604 = arith.cmpi eq, %select_n3A_209, %eq3A_603 : vector<32x32xi32>
    %select_n3A_605 = arith.select %eq3A_604, %select_n3A_601, %select_n3A_594 : vector<32x32xi1>, vector<32x32xi32>
    %slice3A_606 = vector.extract_strided_slice %reduce_min3A_64 {offsets = [9], sizes = [1], strides = [1]} : vector<16xi32> to vector<1xi32>
    %squeeze3A_607 = vector.extract %slice3A_606[0] : i32 from vector<1xi32>
    %slice3A_608 = vector.extract_strided_slice %reduce_min3A_111 {offsets = [9], sizes = [1], strides = [1]} : vector<16xi32> to vector<1xi32>
    %squeeze3A_609 = vector.extract %slice3A_608[0] : i32 from vector<1xi32>
    %broadcast_in_dim3A_610 = vector.broadcast %squeeze3A_607 : i32 to vector<32x32xi32>
    %broadcast_in_dim3A_611 = vector.broadcast %squeeze3A_609 : i32 to vector<32x32xi32>
    %select_n3A_612 = arith.select %lt3A_296, %broadcast_in_dim3A_610, %broadcast_in_dim3A_611 : vector<32x32xi1>, vector<32x32xi32>
    %eq3A_613 = arith.constant 28 : i32
    %eq3A_614 = vector.broadcast %eq3A_613 : i32 to vector<32x32xi32>
    %eq3A_615 = arith.cmpi eq, %select_n3A_209, %eq3A_614 : vector<32x32xi32>
    %select_n3A_616 = arith.select %eq3A_615, %select_n3A_612, %select_n3A_605 : vector<32x32xi1>, vector<32x32xi32>
    %slice3A_617 = vector.extract_strided_slice %reduce_min3A_80 {offsets = [9], sizes = [1], strides = [1]} : vector<16xi32> to vector<1xi32>
    %squeeze3A_618 = vector.extract %slice3A_617[0] : i32 from vector<1xi32>
    %slice3A_619 = vector.extract_strided_slice %reduce_min3A_127 {offsets = [9], sizes = [1], strides = [1]} : vector<16xi32> to vector<1xi32>
    %squeeze3A_620 = vector.extract %slice3A_619[0] : i32 from vector<1xi32>
    %broadcast_in_dim3A_621 = vector.broadcast %squeeze3A_618 : i32 to vector<32x32xi32>
    %broadcast_in_dim3A_622 = vector.broadcast %squeeze3A_620 : i32 to vector<32x32xi32>
    %select_n3A_623 = arith.select %lt3A_296, %broadcast_in_dim3A_621, %broadcast_in_dim3A_622 : vector<32x32xi1>, vector<32x32xi32>
    %eq3A_624 = arith.constant 29 : i32
    %eq3A_625 = vector.broadcast %eq3A_624 : i32 to vector<32x32xi32>
    %eq3A_626 = arith.cmpi eq, %select_n3A_209, %eq3A_625 : vector<32x32xi32>
    %select_n3A_627 = arith.select %eq3A_626, %select_n3A_623, %select_n3A_616 : vector<32x32xi1>, vector<32x32xi32>
    %slice3A_628 = vector.extract_strided_slice %reduce_min3A_48 {offsets = [10], sizes = [1], strides = [1]} : vector<16xi32> to vector<1xi32>
    %squeeze3A_629 = vector.extract %slice3A_628[0] : i32 from vector<1xi32>
    %slice3A_630 = vector.extract_strided_slice %reduce_min3A_95 {offsets = [10], sizes = [1], strides = [1]} : vector<16xi32> to vector<1xi32>
    %squeeze3A_631 = vector.extract %slice3A_630[0] : i32 from vector<1xi32>
    %broadcast_in_dim3A_632 = vector.broadcast %squeeze3A_629 : i32 to vector<32x32xi32>
    %broadcast_in_dim3A_633 = vector.broadcast %squeeze3A_631 : i32 to vector<32x32xi32>
    %select_n3A_634 = arith.select %lt3A_296, %broadcast_in_dim3A_632, %broadcast_in_dim3A_633 : vector<32x32xi1>, vector<32x32xi32>
    %eq3A_635 = arith.constant 30 : i32
    %eq3A_636 = vector.broadcast %eq3A_635 : i32 to vector<32x32xi32>
    %eq3A_637 = arith.cmpi eq, %select_n3A_209, %eq3A_636 : vector<32x32xi32>
    %select_n3A_638 = arith.select %eq3A_637, %select_n3A_634, %select_n3A_627 : vector<32x32xi1>, vector<32x32xi32>
    %slice3A_639 = vector.extract_strided_slice %reduce_min3A_64 {offsets = [10], sizes = [1], strides = [1]} : vector<16xi32> to vector<1xi32>
    %squeeze3A_640 = vector.extract %slice3A_639[0] : i32 from vector<1xi32>
    %slice3A_641 = vector.extract_strided_slice %reduce_min3A_111 {offsets = [10], sizes = [1], strides = [1]} : vector<16xi32> to vector<1xi32>
    %squeeze3A_642 = vector.extract %slice3A_641[0] : i32 from vector<1xi32>
    %broadcast_in_dim3A_643 = vector.broadcast %squeeze3A_640 : i32 to vector<32x32xi32>
    %broadcast_in_dim3A_644 = vector.broadcast %squeeze3A_642 : i32 to vector<32x32xi32>
    %select_n3A_645 = arith.select %lt3A_296, %broadcast_in_dim3A_643, %broadcast_in_dim3A_644 : vector<32x32xi1>, vector<32x32xi32>
    %eq3A_646 = arith.constant 31 : i32
    %eq3A_647 = vector.broadcast %eq3A_646 : i32 to vector<32x32xi32>
    %eq3A_648 = arith.cmpi eq, %select_n3A_209, %eq3A_647 : vector<32x32xi32>
    %select_n3A_649 = arith.select %eq3A_648, %select_n3A_645, %select_n3A_638 : vector<32x32xi1>, vector<32x32xi32>
    %slice3A_650 = vector.extract_strided_slice %reduce_min3A_80 {offsets = [10], sizes = [1], strides = [1]} : vector<16xi32> to vector<1xi32>
    %squeeze3A_651 = vector.extract %slice3A_650[0] : i32 from vector<1xi32>
    %slice3A_652 = vector.extract_strided_slice %reduce_min3A_127 {offsets = [10], sizes = [1], strides = [1]} : vector<16xi32> to vector<1xi32>
    %squeeze3A_653 = vector.extract %slice3A_652[0] : i32 from vector<1xi32>
    %broadcast_in_dim3A_654 = vector.broadcast %squeeze3A_651 : i32 to vector<32x32xi32>
    %broadcast_in_dim3A_655 = vector.broadcast %squeeze3A_653 : i32 to vector<32x32xi32>
    %select_n3A_656 = arith.select %lt3A_296, %broadcast_in_dim3A_654, %broadcast_in_dim3A_655 : vector<32x32xi1>, vector<32x32xi32>
    %eq3A_657 = arith.constant 32 : i32
    %eq3A_658 = vector.broadcast %eq3A_657 : i32 to vector<32x32xi32>
    %eq3A_659 = arith.cmpi eq, %select_n3A_209, %eq3A_658 : vector<32x32xi32>
    %select_n3A_660 = arith.select %eq3A_659, %select_n3A_656, %select_n3A_649 : vector<32x32xi1>, vector<32x32xi32>
    %slice3A_661 = vector.extract_strided_slice %reduce_min3A_48 {offsets = [11], sizes = [1], strides = [1]} : vector<16xi32> to vector<1xi32>
    %squeeze3A_662 = vector.extract %slice3A_661[0] : i32 from vector<1xi32>
    %slice3A_663 = vector.extract_strided_slice %reduce_min3A_95 {offsets = [11], sizes = [1], strides = [1]} : vector<16xi32> to vector<1xi32>
    %squeeze3A_664 = vector.extract %slice3A_663[0] : i32 from vector<1xi32>
    %broadcast_in_dim3A_665 = vector.broadcast %squeeze3A_662 : i32 to vector<32x32xi32>
    %broadcast_in_dim3A_666 = vector.broadcast %squeeze3A_664 : i32 to vector<32x32xi32>
    %select_n3A_667 = arith.select %lt3A_296, %broadcast_in_dim3A_665, %broadcast_in_dim3A_666 : vector<32x32xi1>, vector<32x32xi32>
    %eq3A_668 = arith.constant 33 : i32
    %eq3A_669 = vector.broadcast %eq3A_668 : i32 to vector<32x32xi32>
    %eq3A_670 = arith.cmpi eq, %select_n3A_209, %eq3A_669 : vector<32x32xi32>
    %select_n3A_671 = arith.select %eq3A_670, %select_n3A_667, %select_n3A_660 : vector<32x32xi1>, vector<32x32xi32>
    %slice3A_672 = vector.extract_strided_slice %reduce_min3A_64 {offsets = [11], sizes = [1], strides = [1]} : vector<16xi32> to vector<1xi32>
    %squeeze3A_673 = vector.extract %slice3A_672[0] : i32 from vector<1xi32>
    %slice3A_674 = vector.extract_strided_slice %reduce_min3A_111 {offsets = [11], sizes = [1], strides = [1]} : vector<16xi32> to vector<1xi32>
    %squeeze3A_675 = vector.extract %slice3A_674[0] : i32 from vector<1xi32>
    %broadcast_in_dim3A_676 = vector.broadcast %squeeze3A_673 : i32 to vector<32x32xi32>
    %broadcast_in_dim3A_677 = vector.broadcast %squeeze3A_675 : i32 to vector<32x32xi32>
    %select_n3A_678 = arith.select %lt3A_296, %broadcast_in_dim3A_676, %broadcast_in_dim3A_677 : vector<32x32xi1>, vector<32x32xi32>
    %eq3A_679 = arith.constant 34 : i32
    %eq3A_680 = vector.broadcast %eq3A_679 : i32 to vector<32x32xi32>
    %eq3A_681 = arith.cmpi eq, %select_n3A_209, %eq3A_680 : vector<32x32xi32>
    %select_n3A_682 = arith.select %eq3A_681, %select_n3A_678, %select_n3A_671 : vector<32x32xi1>, vector<32x32xi32>
    %slice3A_683 = vector.extract_strided_slice %reduce_min3A_80 {offsets = [11], sizes = [1], strides = [1]} : vector<16xi32> to vector<1xi32>
    %squeeze3A_684 = vector.extract %slice3A_683[0] : i32 from vector<1xi32>
    %slice3A_685 = vector.extract_strided_slice %reduce_min3A_127 {offsets = [11], sizes = [1], strides = [1]} : vector<16xi32> to vector<1xi32>
    %squeeze3A_686 = vector.extract %slice3A_685[0] : i32 from vector<1xi32>
    %broadcast_in_dim3A_687 = vector.broadcast %squeeze3A_684 : i32 to vector<32x32xi32>
    %broadcast_in_dim3A_688 = vector.broadcast %squeeze3A_686 : i32 to vector<32x32xi32>
    %select_n3A_689 = arith.select %lt3A_296, %broadcast_in_dim3A_687, %broadcast_in_dim3A_688 : vector<32x32xi1>, vector<32x32xi32>
    %eq3A_690 = arith.constant 35 : i32
    %eq3A_691 = vector.broadcast %eq3A_690 : i32 to vector<32x32xi32>
    %eq3A_692 = arith.cmpi eq, %select_n3A_209, %eq3A_691 : vector<32x32xi32>
    %select_n3A_693 = arith.select %eq3A_692, %select_n3A_689, %select_n3A_682 : vector<32x32xi1>, vector<32x32xi32>
    %slice3A_694 = vector.extract_strided_slice %reduce_min3A_48 {offsets = [12], sizes = [1], strides = [1]} : vector<16xi32> to vector<1xi32>
    %squeeze3A_695 = vector.extract %slice3A_694[0] : i32 from vector<1xi32>
    %slice3A_696 = vector.extract_strided_slice %reduce_min3A_95 {offsets = [12], sizes = [1], strides = [1]} : vector<16xi32> to vector<1xi32>
    %squeeze3A_697 = vector.extract %slice3A_696[0] : i32 from vector<1xi32>
    %broadcast_in_dim3A_698 = vector.broadcast %squeeze3A_695 : i32 to vector<32x32xi32>
    %broadcast_in_dim3A_699 = vector.broadcast %squeeze3A_697 : i32 to vector<32x32xi32>
    %select_n3A_700 = arith.select %lt3A_296, %broadcast_in_dim3A_698, %broadcast_in_dim3A_699 : vector<32x32xi1>, vector<32x32xi32>
    %eq3A_701 = arith.constant 36 : i32
    %eq3A_702 = vector.broadcast %eq3A_701 : i32 to vector<32x32xi32>
    %eq3A_703 = arith.cmpi eq, %select_n3A_209, %eq3A_702 : vector<32x32xi32>
    %select_n3A_704 = arith.select %eq3A_703, %select_n3A_700, %select_n3A_693 : vector<32x32xi1>, vector<32x32xi32>
    %slice3A_705 = vector.extract_strided_slice %reduce_min3A_64 {offsets = [12], sizes = [1], strides = [1]} : vector<16xi32> to vector<1xi32>
    %squeeze3A_706 = vector.extract %slice3A_705[0] : i32 from vector<1xi32>
    %slice3A_707 = vector.extract_strided_slice %reduce_min3A_111 {offsets = [12], sizes = [1], strides = [1]} : vector<16xi32> to vector<1xi32>
    %squeeze3A_708 = vector.extract %slice3A_707[0] : i32 from vector<1xi32>
    %broadcast_in_dim3A_709 = vector.broadcast %squeeze3A_706 : i32 to vector<32x32xi32>
    %broadcast_in_dim3A_710 = vector.broadcast %squeeze3A_708 : i32 to vector<32x32xi32>
    %select_n3A_711 = arith.select %lt3A_296, %broadcast_in_dim3A_709, %broadcast_in_dim3A_710 : vector<32x32xi1>, vector<32x32xi32>
    %eq3A_712 = arith.constant 37 : i32
    %eq3A_713 = vector.broadcast %eq3A_712 : i32 to vector<32x32xi32>
    %eq3A_714 = arith.cmpi eq, %select_n3A_209, %eq3A_713 : vector<32x32xi32>
    %select_n3A_715 = arith.select %eq3A_714, %select_n3A_711, %select_n3A_704 : vector<32x32xi1>, vector<32x32xi32>
    %slice3A_716 = vector.extract_strided_slice %reduce_min3A_80 {offsets = [12], sizes = [1], strides = [1]} : vector<16xi32> to vector<1xi32>
    %squeeze3A_717 = vector.extract %slice3A_716[0] : i32 from vector<1xi32>
    %slice3A_718 = vector.extract_strided_slice %reduce_min3A_127 {offsets = [12], sizes = [1], strides = [1]} : vector<16xi32> to vector<1xi32>
    %squeeze3A_719 = vector.extract %slice3A_718[0] : i32 from vector<1xi32>
    %broadcast_in_dim3A_720 = vector.broadcast %squeeze3A_717 : i32 to vector<32x32xi32>
    %broadcast_in_dim3A_721 = vector.broadcast %squeeze3A_719 : i32 to vector<32x32xi32>
    %select_n3A_722 = arith.select %lt3A_296, %broadcast_in_dim3A_720, %broadcast_in_dim3A_721 : vector<32x32xi1>, vector<32x32xi32>
    %eq3A_723 = arith.constant 38 : i32
    %eq3A_724 = vector.broadcast %eq3A_723 : i32 to vector<32x32xi32>
    %eq3A_725 = arith.cmpi eq, %select_n3A_209, %eq3A_724 : vector<32x32xi32>
    %select_n3A_726 = arith.select %eq3A_725, %select_n3A_722, %select_n3A_715 : vector<32x32xi1>, vector<32x32xi32>
    %slice3A_727 = vector.extract_strided_slice %reduce_min3A_48 {offsets = [13], sizes = [1], strides = [1]} : vector<16xi32> to vector<1xi32>
    %squeeze3A_728 = vector.extract %slice3A_727[0] : i32 from vector<1xi32>
    %slice3A_729 = vector.extract_strided_slice %reduce_min3A_95 {offsets = [13], sizes = [1], strides = [1]} : vector<16xi32> to vector<1xi32>
    %squeeze3A_730 = vector.extract %slice3A_729[0] : i32 from vector<1xi32>
    %broadcast_in_dim3A_731 = vector.broadcast %squeeze3A_728 : i32 to vector<32x32xi32>
    %broadcast_in_dim3A_732 = vector.broadcast %squeeze3A_730 : i32 to vector<32x32xi32>
    %select_n3A_733 = arith.select %lt3A_296, %broadcast_in_dim3A_731, %broadcast_in_dim3A_732 : vector<32x32xi1>, vector<32x32xi32>
    %eq3A_734 = arith.constant 39 : i32
    %eq3A_735 = vector.broadcast %eq3A_734 : i32 to vector<32x32xi32>
    %eq3A_736 = arith.cmpi eq, %select_n3A_209, %eq3A_735 : vector<32x32xi32>
    %select_n3A_737 = arith.select %eq3A_736, %select_n3A_733, %select_n3A_726 : vector<32x32xi1>, vector<32x32xi32>
    %slice3A_738 = vector.extract_strided_slice %reduce_min3A_64 {offsets = [13], sizes = [1], strides = [1]} : vector<16xi32> to vector<1xi32>
    %squeeze3A_739 = vector.extract %slice3A_738[0] : i32 from vector<1xi32>
    %slice3A_740 = vector.extract_strided_slice %reduce_min3A_111 {offsets = [13], sizes = [1], strides = [1]} : vector<16xi32> to vector<1xi32>
    %squeeze3A_741 = vector.extract %slice3A_740[0] : i32 from vector<1xi32>
    %broadcast_in_dim3A_742 = vector.broadcast %squeeze3A_739 : i32 to vector<32x32xi32>
    %broadcast_in_dim3A_743 = vector.broadcast %squeeze3A_741 : i32 to vector<32x32xi32>
    %select_n3A_744 = arith.select %lt3A_296, %broadcast_in_dim3A_742, %broadcast_in_dim3A_743 : vector<32x32xi1>, vector<32x32xi32>
    %eq3A_745 = arith.constant 40 : i32
    %eq3A_746 = vector.broadcast %eq3A_745 : i32 to vector<32x32xi32>
    %eq3A_747 = arith.cmpi eq, %select_n3A_209, %eq3A_746 : vector<32x32xi32>
    %select_n3A_748 = arith.select %eq3A_747, %select_n3A_744, %select_n3A_737 : vector<32x32xi1>, vector<32x32xi32>
    %slice3A_749 = vector.extract_strided_slice %reduce_min3A_80 {offsets = [13], sizes = [1], strides = [1]} : vector<16xi32> to vector<1xi32>
    %squeeze3A_750 = vector.extract %slice3A_749[0] : i32 from vector<1xi32>
    %slice3A_751 = vector.extract_strided_slice %reduce_min3A_127 {offsets = [13], sizes = [1], strides = [1]} : vector<16xi32> to vector<1xi32>
    %squeeze3A_752 = vector.extract %slice3A_751[0] : i32 from vector<1xi32>
    %broadcast_in_dim3A_753 = vector.broadcast %squeeze3A_750 : i32 to vector<32x32xi32>
    %broadcast_in_dim3A_754 = vector.broadcast %squeeze3A_752 : i32 to vector<32x32xi32>
    %select_n3A_755 = arith.select %lt3A_296, %broadcast_in_dim3A_753, %broadcast_in_dim3A_754 : vector<32x32xi1>, vector<32x32xi32>
    %eq3A_756 = arith.constant 41 : i32
    %eq3A_757 = vector.broadcast %eq3A_756 : i32 to vector<32x32xi32>
    %eq3A_758 = arith.cmpi eq, %select_n3A_209, %eq3A_757 : vector<32x32xi32>
    %select_n3A_759 = arith.select %eq3A_758, %select_n3A_755, %select_n3A_748 : vector<32x32xi1>, vector<32x32xi32>
    %slice3A_760 = vector.extract_strided_slice %reduce_min3A_48 {offsets = [14], sizes = [1], strides = [1]} : vector<16xi32> to vector<1xi32>
    %squeeze3A_761 = vector.extract %slice3A_760[0] : i32 from vector<1xi32>
    %slice3A_762 = vector.extract_strided_slice %reduce_min3A_95 {offsets = [14], sizes = [1], strides = [1]} : vector<16xi32> to vector<1xi32>
    %squeeze3A_763 = vector.extract %slice3A_762[0] : i32 from vector<1xi32>
    %broadcast_in_dim3A_764 = vector.broadcast %squeeze3A_761 : i32 to vector<32x32xi32>
    %broadcast_in_dim3A_765 = vector.broadcast %squeeze3A_763 : i32 to vector<32x32xi32>
    %select_n3A_766 = arith.select %lt3A_296, %broadcast_in_dim3A_764, %broadcast_in_dim3A_765 : vector<32x32xi1>, vector<32x32xi32>
    %eq3A_767 = arith.constant 42 : i32
    %eq3A_768 = vector.broadcast %eq3A_767 : i32 to vector<32x32xi32>
    %eq3A_769 = arith.cmpi eq, %select_n3A_209, %eq3A_768 : vector<32x32xi32>
    %select_n3A_770 = arith.select %eq3A_769, %select_n3A_766, %select_n3A_759 : vector<32x32xi1>, vector<32x32xi32>
    %slice3A_771 = vector.extract_strided_slice %reduce_min3A_64 {offsets = [14], sizes = [1], strides = [1]} : vector<16xi32> to vector<1xi32>
    %squeeze3A_772 = vector.extract %slice3A_771[0] : i32 from vector<1xi32>
    %slice3A_773 = vector.extract_strided_slice %reduce_min3A_111 {offsets = [14], sizes = [1], strides = [1]} : vector<16xi32> to vector<1xi32>
    %squeeze3A_774 = vector.extract %slice3A_773[0] : i32 from vector<1xi32>
    %broadcast_in_dim3A_775 = vector.broadcast %squeeze3A_772 : i32 to vector<32x32xi32>
    %broadcast_in_dim3A_776 = vector.broadcast %squeeze3A_774 : i32 to vector<32x32xi32>
    %select_n3A_777 = arith.select %lt3A_296, %broadcast_in_dim3A_775, %broadcast_in_dim3A_776 : vector<32x32xi1>, vector<32x32xi32>
    %eq3A_778 = arith.constant 43 : i32
    %eq3A_779 = vector.broadcast %eq3A_778 : i32 to vector<32x32xi32>
    %eq3A_780 = arith.cmpi eq, %select_n3A_209, %eq3A_779 : vector<32x32xi32>
    %select_n3A_781 = arith.select %eq3A_780, %select_n3A_777, %select_n3A_770 : vector<32x32xi1>, vector<32x32xi32>
    %slice3A_782 = vector.extract_strided_slice %reduce_min3A_80 {offsets = [14], sizes = [1], strides = [1]} : vector<16xi32> to vector<1xi32>
    %squeeze3A_783 = vector.extract %slice3A_782[0] : i32 from vector<1xi32>
    %slice3A_784 = vector.extract_strided_slice %reduce_min3A_127 {offsets = [14], sizes = [1], strides = [1]} : vector<16xi32> to vector<1xi32>
    %squeeze3A_785 = vector.extract %slice3A_784[0] : i32 from vector<1xi32>
    %broadcast_in_dim3A_786 = vector.broadcast %squeeze3A_783 : i32 to vector<32x32xi32>
    %broadcast_in_dim3A_787 = vector.broadcast %squeeze3A_785 : i32 to vector<32x32xi32>
    %select_n3A_788 = arith.select %lt3A_296, %broadcast_in_dim3A_786, %broadcast_in_dim3A_787 : vector<32x32xi1>, vector<32x32xi32>
    %eq3A_789 = arith.constant 44 : i32
    %eq3A_790 = vector.broadcast %eq3A_789 : i32 to vector<32x32xi32>
    %eq3A_791 = arith.cmpi eq, %select_n3A_209, %eq3A_790 : vector<32x32xi32>
    %select_n3A_792 = arith.select %eq3A_791, %select_n3A_788, %select_n3A_781 : vector<32x32xi1>, vector<32x32xi32>
    %slice3A_793 = vector.extract_strided_slice %reduce_min3A_48 {offsets = [15], sizes = [1], strides = [1]} : vector<16xi32> to vector<1xi32>
    %squeeze3A_794 = vector.extract %slice3A_793[0] : i32 from vector<1xi32>
    %slice3A_795 = vector.extract_strided_slice %reduce_min3A_95 {offsets = [15], sizes = [1], strides = [1]} : vector<16xi32> to vector<1xi32>
    %squeeze3A_796 = vector.extract %slice3A_795[0] : i32 from vector<1xi32>
    %broadcast_in_dim3A_797 = vector.broadcast %squeeze3A_794 : i32 to vector<32x32xi32>
    %broadcast_in_dim3A_798 = vector.broadcast %squeeze3A_796 : i32 to vector<32x32xi32>
    %select_n3A_799 = arith.select %lt3A_296, %broadcast_in_dim3A_797, %broadcast_in_dim3A_798 : vector<32x32xi1>, vector<32x32xi32>
    %eq3A_800 = arith.constant 45 : i32
    %eq3A_801 = vector.broadcast %eq3A_800 : i32 to vector<32x32xi32>
    %eq3A_802 = arith.cmpi eq, %select_n3A_209, %eq3A_801 : vector<32x32xi32>
    %select_n3A_803 = arith.select %eq3A_802, %select_n3A_799, %select_n3A_792 : vector<32x32xi1>, vector<32x32xi32>
    %slice3A_804 = vector.extract_strided_slice %reduce_min3A_64 {offsets = [15], sizes = [1], strides = [1]} : vector<16xi32> to vector<1xi32>
    %squeeze3A_805 = vector.extract %slice3A_804[0] : i32 from vector<1xi32>
    %slice3A_806 = vector.extract_strided_slice %reduce_min3A_111 {offsets = [15], sizes = [1], strides = [1]} : vector<16xi32> to vector<1xi32>
    %squeeze3A_807 = vector.extract %slice3A_806[0] : i32 from vector<1xi32>
    %broadcast_in_dim3A_808 = vector.broadcast %squeeze3A_805 : i32 to vector<32x32xi32>
    %broadcast_in_dim3A_809 = vector.broadcast %squeeze3A_807 : i32 to vector<32x32xi32>
    %select_n3A_810 = arith.select %lt3A_296, %broadcast_in_dim3A_808, %broadcast_in_dim3A_809 : vector<32x32xi1>, vector<32x32xi32>
    %eq3A_811 = arith.constant 46 : i32
    %eq3A_812 = vector.broadcast %eq3A_811 : i32 to vector<32x32xi32>
    %eq3A_813 = arith.cmpi eq, %select_n3A_209, %eq3A_812 : vector<32x32xi32>
    %select_n3A_814 = arith.select %eq3A_813, %select_n3A_810, %select_n3A_803 : vector<32x32xi1>, vector<32x32xi32>
    %slice3A_815 = vector.extract_strided_slice %reduce_min3A_80 {offsets = [15], sizes = [1], strides = [1]} : vector<16xi32> to vector<1xi32>
    %squeeze3A_816 = vector.extract %slice3A_815[0] : i32 from vector<1xi32>
    %slice3A_817 = vector.extract_strided_slice %reduce_min3A_127 {offsets = [15], sizes = [1], strides = [1]} : vector<16xi32> to vector<1xi32>
    %squeeze3A_818 = vector.extract %slice3A_817[0] : i32 from vector<1xi32>
    %broadcast_in_dim3A_819 = vector.broadcast %squeeze3A_816 : i32 to vector<32x32xi32>
    %broadcast_in_dim3A_820 = vector.broadcast %squeeze3A_818 : i32 to vector<32x32xi32>
    %select_n3A_821 = arith.select %lt3A_296, %broadcast_in_dim3A_819, %broadcast_in_dim3A_820 : vector<32x32xi1>, vector<32x32xi32>
    %eq3A_822 = arith.constant 47 : i32
    %eq3A_823 = vector.broadcast %eq3A_822 : i32 to vector<32x32xi32>
    %eq3A_824 = arith.cmpi eq, %select_n3A_209, %eq3A_823 : vector<32x32xi32>
    %select_n3A_825 = arith.select %eq3A_824, %select_n3A_821, %select_n3A_814 : vector<32x32xi1>, vector<32x32xi32>
    %jit3A_826 = arith.constant 160 : i32
    %jit3A_827 = arith.constant 0 : i32
    %broadcast_in_dim3A_828 = vector.broadcast %jit3A_826 : i32 to vector<32x32xi32>
    %broadcast_in_dim3A_829 = vector.broadcast %jit3A_827 : i32 to vector<32x32xi32>
    %select_n3A_830 = arith.select %lt3A_296, %broadcast_in_dim3A_828, %broadcast_in_dim3A_829 : vector<32x32xi1>, vector<32x32xi32>
    %mul3A_831 = arith.constant 10 : i32
    %mul3A_832 = vector.broadcast %mul3A_831 : i32 to vector<32x32xi32>
    %mul3A_833 = arith.muli %select_n3A_240, %mul3A_832 : vector<32x32xi32>
    %add3A_834 = arith.addi %select_n3A_830, %mul3A_833 : vector<32x32xi32>
    %add3A_835 = arith.addi %add3A_834, %select_n3A_293 : vector<32x32xi32>
    %mul3A_836 = arith.constant 32 : i32
    %mul3A_837 = vector.broadcast %mul3A_836 : i32 to vector<32x32xi32>
    %mul3A_838 = arith.muli %add3A_835, %mul3A_837 : vector<32x32xi32>
    %add3A_839 = arith.addi %mul3A_838, %select_n3A_825 : vector<32x32xi32>
    %lt3A_840 = arith.constant 30 : i32
    %lt3A_841 = vector.broadcast %lt3A_840 : i32 to vector<32x32xi32>
    %lt3A_842 = arith.cmpi slt, %iota3A_185, %lt3A_841 : vector<32x32xi32>
    %lt3A_843 = arith.constant 960 : i32
    %lt3A_844 = vector.broadcast %lt3A_843 : i32 to vector<32x32xi32>
    %lt3A_845 = arith.cmpi slt, %add3A_188, %lt3A_844 : vector<32x32xi32>
    %and3A_846 = arith.andi %lt3A_842, %lt3A_845 : vector<32x32xi1>
    %jit3A_847 = arith.constant 0 : i32
    %broadcast_in_dim3A_848 = vector.broadcast %jit3A_847 : i32 to vector<32x32xi32>
    %select_n3A_849 = arith.select %and3A_846, %add3A_839, %broadcast_in_dim3A_848 : vector<32x32xi1>, vector<32x32xi32>
    %swap3A_850 = arith.constant 0 : index
    %swap3A_851 = arith.constant 0 : index
    %swap3A_852 = vector.load %arg7[%swap3A_850, %swap3A_851] : memref<32x32xi32, #tpu.memory_space<vmem>>, vector<32x32xi32>
    tpu.vector_store %arg7[%swap3A_850, %swap3A_851], %select_n3A_849 {strides = array<i32>} : memref<32x32xi32, #tpu.memory_space<vmem>>, vector<32x32xi32>,
    return
  }
  func.func @transform_0(%arg0: i32) -> (i32, i32) {
    %c0_i32 = arith.constant 0 : i32
    %c0_i32_0 = arith.constant 0 : i32
    %c0_i32_1 = arith.constant 0 : i32
    return %c0_i32, %c0_i32_0 : i32, i32
  }
  func.func @transform_1(%arg0: i32) -> (i32, i32) {
    %c0_i32 = arith.constant 0 : i32
    %c0_i32_0 = arith.constant 0 : i32
    %c0_i32_1 = arith.constant 0 : i32
    return %c0_i32, %c0_i32_0 : i32, i32
  }
  func.func @transform_2(%arg0: i32) -> (i32, i32) {
    %c0_i32 = arith.constant 0 : i32
    %c0_i32_0 = arith.constant 0 : i32
    %c0_i32_1 = arith.constant 0 : i32
    return %c0_i32, %c0_i32_0 : i32, i32
  }
  func.func @transform_3(%arg0: i32) -> (i32, i32) {
    %c0_i32 = arith.constant 0 : i32
    %c0_i32_0 = arith.constant 0 : i32
    %c0_i32_1 = arith.constant 0 : i32
    return %c0_i32, %c0_i32_0 : i32, i32
  }
  func.func @transform_4(%arg0: i32) -> (i32, i32) {
    %c0_i32 = arith.constant 0 : i32
    %c0_i32_0 = arith.constant 0 : i32
    %c0_i32_1 = arith.constant 0 : i32
    return %c0_i32, %c0_i32_0 : i32, i32
  }
  func.func @transform_5(%arg0: i32) -> (i32, i32) {
    %c0_i32 = arith.constant 0 : i32
    %c0_i32_0 = arith.constant 0 : i32
    %c0_i32_1 = arith.constant 0 : i32
    return %c0_i32, %c0_i32_0 : i32, i32
  }
  func.func @transform_6(%arg0: i32) -> (i32, i32) {
    %c0_i32 = arith.constant 0 : i32
    %c0_i32_0 = arith.constant 0 : i32
    %c0_i32_1 = arith.constant 0 : i32
    return %c0_i32, %c0_i32_0 : i32, i32
  }
}

</mosaic_0001>

<sc_bundles>
// kernel: kernel.6.cloned.1.call-start
scs
__scs_entry_jumppad:
0x0: {  	(pc) =	sbr.rel $0x88, $3  }
0x1: {  	(tag) =	ssettag $0x0;
	lr =	simm.s32 $0x1  }
0x2: {  	[smem:$0x3F89] =	sst lr;
	_ =	strace $0xD0000000  }
0x3: {  	_ = 	snop  }
0x4: {  	_ = 	snop  }
0x5: {  	_ = 	snop  }
0x6: {  	_ = 	snop  }
0x7: {  	_ = 	snop  }
__scs_overlays_trampoline_lowered:
0x8: {  	[smem:$0x3F98] =	sst s0  }
0x9: {  	[smem:$0x3F99] =	sst s1  }
0xa: {  	[smem:$0x3F9A] =	sst s2  }
0xb: {  	[smem:$0x3F9B] =	sst s3  }
0xc: {  	[smem:$0x3F9C] =	sst s4  }
0xd: {  	[smem:$0x3F9D] =	sst s5  }
0xe: {  	[smem:$0x3F9E] =	sst s6  }
0xf: {  	[smem:$0x3F9F] =	sst s7  }
0x10: {  	[smem:$0x3FA0] =	sst s8  }
0x11: {  	[smem:$0x3FA1] =	sst s9;
	s0 =	simm.s32 @!p0 $0x0  }
0x12: {  	s1 =	sld [smem:$0x3F87];
	s0 =	simm.s32 @p0 $0x1  }
0x13: {  	[smem:$0x3FA2] =	sst s0;
	s0 =	simm.s32 @!p1 $0x0  }
0x14: {  	s2 =	sld [smem:$0x3F86];
	s0 =	simm.s32 @p1 $0x1  }
0x15: {  	[smem:$0x3FA3] =	sst s0;
	s0 =	simm.s32 @!p2 $0x0  }
0x16: {  	s3 =	sld [smem:$0x3FDB];
	s0 =	simm.s32 @p2 $0x1  }
0x17: {  	s4 =	simm.s32 $0x1BF5;
	[smem:$0x3FA5] =	sst s0  }
0x18: {  	s0 =	sld [smem:$0x3F88];
	_ =	swait.ge [sflag:s4], $0x0  }
0x19: {  	s7 =	sld [smem:$0x3F89]  }
0x1a: {  	s8 =	sadd.s32 $0xFFFFE003, lr  }
0x1b: {  	s9 =	sadd.s32 $0xFFFFFEF7, lr;
	s5 =	simm.s32 $0xFFFFFFFF;
	p2 =	slt.u32 s8, $0xFFFFF086  }
0x1c: {  	p1 =	slt.u32 s9, $0xF7A;
	s5 =	simm.s32 @!p2 $0x0  }
0x1d: {  	s5 =	simm.s32 @p1 $0x1;
	p0 =	seq.s32 s7, s2  }
0x1e: {  	s7 =	smul.u32 @!p0 $0xF7A, s2;
	p2 =	seq.s32 @!p0 s5, $0x0  }
0x1f: {  	s9 =	smul.u32 $0xF7A, s1;
	s8 =	simm.s32 @!p0 $0x1BF5;
	p2 =	por !p2, p0  }
0x20: {  	[sflag:s8] =	ssyncset.s32 @!p0 $0xFFFFF086;
	s6 =	sadd.s32 @!p0 s3, s7;
	s7 =	simm.s32 @!p0 $0x108  }
0x21: {  	s3 =	sadd.s32 s3, s9;
	s6 =	sadd.s32 @!p0 $0x88, s6;
	s7 =	simm.s32 @p2 $0x1082  }
0x22: {  	[simem:s7], [sflag:s8] =	dma.local @!p0 [hbm:s6], $0xF7A  }
0x23: {  	s9 =	sor.u32 $0xD0000000, s2;
	s6 =	simm.s32 $0x108;
	_ =	swait.ge @!p0 [sflag:s8], $0x0  }
0x24: {  	s3 =	sadd.s32 $0x88, s3;
	s6 =	simm.s32 @!p1 $0x1082;
	[sflag:s4] =	ssyncset.s32 $0xFFFFF086  }
0x25: {  	[simem:s6], [sflag:s4] =	dma.local [hbm:s3], $0xF7A  }
0x26: {  	[smem:$0x3F89] =	sst s1;
	(tag) =	ssettag s2;
	_ =	strace s9  }
0x27: {  	s1 =	sld [smem:$0x3F99]  }
0x28: {  	s2 =	sld [smem:$0x3F9A]  }
0x29: {  	s4 =	sld [smem:$0x3F9C]  }
0x2a: {  	p0 =	seq.s32 s5, $0x0;
	s5 =	sld [smem:$0x3F9D]  }
0x2b: {  	s6 =	sld [smem:$0x3F9E]  }
0x2c: {  	s7 =	sld [smem:$0x3F9F]  }
0x2d: {  	s3 =	simm.s32 $0x108;
	s8 =	sld [smem:$0x3FA0]  }
0x2e: {  	s3 =	simm.s32 @!p0 $0x1082;
	s9 =	sld [smem:$0x3FA1]  }
0x2f: {  	lr =	sadd.s32 s0, s3;
	s0 =	sld [smem:$0x3F98]  }
0x30: {  	s3 =	sld [smem:$0x3F9B]  }
0x31: {  	[smem:$0x3FA4] =	sst s10  }
0x32: {  	s10 =	sld [smem:$0x3FA2];
	_ =	sdelay $0x3  }
0x33: {  	p0 =	seq.s32 s10, $0x1;
	s10 =	sld [smem:$0x3FA4];
	_ =	sdelay $0x3  }
0x34: {  	[smem:$0x3FA4] =	sst s10  }
0x35: {  	s10 =	sld [smem:$0x3FA3];
	_ =	sdelay $0x3  }
0x36: {  	p1 =	seq.s32 s10, $0x1;
	s10 =	sld [smem:$0x3FA4];
	_ =	sdelay $0x3  }
0x37: {  	[smem:$0x3FA4] =	sst s10  }
0x38: {  	s10 =	sld [smem:$0x3FA5]  }
0x39: {  	_ = 	snop;
	(pc) =	sbr.ind lr, $3  }
0x3a: {  	_ = 	snop  }
0x3b: {  	_ = 	snop  }
0x3c: {  	p2 =	seq.s32 s10, $0x1;
	s10 =	sld [smem:$0x3FA4]  }
0x3d: {  	_ =	shalt  }
0x3e: {  	_ =	shalt  }
0x3f: {  	_ =	shalt  }
0x40: {  	_ =	shalt  }
0x41: {  	_ =	shalt  }
0x42: {  	_ =	shalt  }
0x43: {  	_ =	shalt  }
0x44: {  	_ =	shalt  }
0x45: {  	_ =	shalt  }
0x46: {  	_ =	shalt  }
0x47: {  	_ =	shalt  }
0x48: {  	_ =	shalt  }
0x49: {  	_ =	shalt  }
0x4a: {  	_ =	shalt  }
0x4b: {  	_ =	shalt  }
0x4c: {  	_ =	shalt  }
0x4d: {  	_ =	shalt  }
0x4e: {  	_ =	shalt  }
0x4f: {  	_ =	shalt  }
0x50: {  	_ =	shalt  }
0x51: {  	_ =	shalt  }
0x52: {  	_ =	shalt  }
0x53: {  	_ =	shalt  }
0x54: {  	_ =	shalt  }
0x55: {  	_ =	shalt  }
0x56: {  	_ =	shalt  }
0x57: {  	_ =	shalt  }
0x58: {  	_ =	shalt  }
0x59: {  	_ =	shalt  }
0x5a: {  	_ =	shalt  }
0x5b: {  	_ =	shalt  }
0x5c: {  	_ =	shalt  }
0x5d: {  	_ =	shalt  }
0x5e: {  	_ =	shalt  }
0x5f: {  	_ =	shalt  }
0x60: {  	_ =	shalt  }
0x61: {  	_ =	shalt  }
0x62: {  	_ =	shalt  }
0x63: {  	_ =	shalt  }
0x64: {  	_ =	shalt  }
0x65: {  	_ =	shalt  }
0x66: {  	_ =	shalt  }
0x67: {  	_ =	shalt  }
0x68: {  	_ =	shalt  }
0x69: {  	_ =	shalt  }
0x6a: {  	_ =	shalt  }
0x6b: {  	_ =	shalt  }
0x6c: {  	_ =	shalt  }
0x6d: {  	_ =	shalt  }
0x6e: {  	_ =	shalt  }
0x6f: {  	_ =	shalt  }
0x70: {  	_ =	shalt  }
0x71: {  	_ =	shalt  }
0x72: {  	_ =	shalt  }
0x73: {  	_ =	shalt  }
0x74: {  	_ =	shalt  }
0x75: {  	_ =	shalt  }
0x76: {  	_ =	shalt  }
0x77: {  	_ =	shalt  }
0x78: {  	_ =	shalt  }
0x79: {  	_ =	shalt  }
0x7a: {  	_ =	shalt  }
0x7b: {  	_ =	shalt  }
0x7c: {  	_ =	shalt  }
0x7d: {  	_ =	shalt  }
0x7e: {  	_ =	shalt  }
0x7f: {  	_ =	shalt  }
0x80: {  	_ =	shalt  }
0x81: {  	_ =	shalt  }
0x82: {  	_ =	shalt  }
0x83: {  	_ =	shalt  }
0x84: {  	_ =	shalt  }
0x85: {  	_ =	shalt  }
0x86: {  	_ =	shalt  }
0x87: {  	_ =	shalt  }
.Lfunc_end0:
.L_simem_size_0:
called_computation_lowered:
.L_overlay_start_0:
0x88: {  	s2 =	sld [smem:$0x3FD9]  }
0x89: {  	s3 =	sld [smem:$0x3FFE];
	_ =	sdelay $0x1  }
0x8a: {  	s1 =	srdreg.scid  }
0x8b: {  	s0 =	sand.u32 $0x1, s1  }
0x8c: {  	s14 =	sshll.u32 s0, $0xA;
	s2 =	sadd.s32 s3, s2  }
0x8d: {  	s2 =	sadd.s32 s2, s14  }
0x8e: {  	[smem:$0x3FB0] =	sst s2  }
0x8f: {  	_ = 	snop  }
0x90: {  	s2 =	sld [smem:$0x3FD0];
	_ =	sdelay $0x3  }
0x91: {  	s15 =	simm.s32 $0xA;
	s4 =	simm.s32 $0x10;
	s2 =	sadd.s32 $0x1, s2  }
0x92: {  	[smem:s4], [sflag:s15] =	dma.local [hbm:s2], $0x1  }
0x93: {  	_ =	swait.eq [sflag:s15], $0x1  }
0x94: {  	[sflag:s15] =	ssyncset.done $0x0  }
0x95: {  	[sflag:s15] =	ssyncadd.s32 $0xFFFFFFFF  }
0x96: {  	s16 =	sld [smem:$0x10];
	(tm) =	ssettm $0x1  }
0x97: {  	s17 =	sld [smem:$0x3FFB];
	_ =	sdelay $0x3  }
0x98: {  	_ =	strace s17  }
0x99: {  	s3 =	sld [smem:$0x3FFC];
	_ =	sdelay $0x3  }
0x9a: {  	_ =	strace s3  }
0x9b: {  	s3 =	sld [smem:$0x3FFD];
	_ =	sdelay $0x3  }
0x9c: {  	_ =	strace s3  }
0x9d: {  	_ =	strace $0x8FFFFFFF  }
0x9e: {  	s18 =	sld [smem:$0x3FDB];
	_ =	sdelay $0x1  }
0x9f: {  	s19 =	simm.s32 $_scs_section_size  }
0xa0: {  	s5 =	simm.s32 $_size__tile_overlayer_lowered;
	s6 =	simm.s32 $_tile_overlayer_lowered  }
0xa1: {  	s22 =	simm.s32 $0x1BFF;
	s21 =	sshll.u32 s6, $0x1;
	s3 =	sadd.s32 s19, s18  }
0xa2: {  	s7 =	simm.s32 $0x0;
	s20 =	sshll.u32 s5, $0x1;
	s5 =	sadd.s32 s21, s3  }
0xa3: {  	[timem:s7], [sflag:s22] =	dma.local [hbm:s5], s20  }
0xa4: {  	_ =	swait.ge [sflag:s22], s20  }
0xa5: {  	s4 =	ssub.s32 $0x0, s20;
	[sflag:s22] =	ssyncset.done $0x0  }
0xa6: {  	[sflag:s22] =	ssyncadd.s32 s4;
	_ =	sdelay $0x1  }
0xa7: {  	s23 =	simm.s32 $0x1B8B  }
0xa8: {  	_ =	swait.ge [sflag:s23], $0x1  }
0xa9: {  	[sflag:s23] =	ssyncset.done $0x0  }
0xaa: {  	s25 =	simm.s32 $0x1B8E;
	s24 =	sld [smem:$0x3FFE];
	[sflag:s23] =	ssyncadd.s32 $0xFFFFFFFF  }
0xab: {  	s26 =	simm.s32 $execute0_lowered;
	[smem:$0x3FD2] =	sst s25  }
0xac: {  	s5 =	sshll.u32 s26, $0x1;
	_ =	strace $0x80000046;
	[dreg:$0x1] =	wrdreg $0xFFFFFFFF  }
0xad: {  	s28 =	simm.s32 $_size_execute0_lowered;
	s3 =	sadd.s32 s3, s5;
	[dreg:$0x0] =	wrdreg $0x0  }
0xae: {  	s5 =	sshll.u32 s28, $0x1;
	[dreg:$0x2] =	wrdreg s3  }
0xaf: {  	[dreg:$0x3] =	wrdreg s5  }
0xb0: {  	[dreg:$0x4] =	wrdreg $0xC0  }
0xb1: {  	_ =	task [dreg:s7], $0x5FFFF  }
0xb2: {  	[dreg:$0x1] =	wrdreg $0xFFFFFFFF  }
0xb3: {  	[dreg:$0x0] =	wrdreg $0x60  }
0xb4: {  	[dreg:$0x2] =	wrdreg s24  }
0xb5: {  	[dreg:$0x3] =	wrdreg s16  }
0xb6: {  	[dreg:$0x4] =	wrdreg $0x9  }
0xb7: {  	_ =	task.clear_ibuf [dreg:s7], $0x5FFFF;
	_ =	strace $0x90000046  }
0xb8: {  	s29 =	simm.s32 $0x9;
	_ =	strace $0x80000048  }
0xb9: {  	_ =	swait.ge [sflag:s29], $0x1  }
0xba: {  	[sflag:s29] =	ssyncadd.s32 $0xFFFFFFFF  }
0xbb: {  	_ =	strace $0x90000048  }
0xbc: {  	_ =	sfence  }
0xbd: {  	s30 =	sld [smem:$0x0];
	_ =	sdelay $0x2  }
0xbe: {  	s31 =	sshll.u32 s1, $0xD;
	s1 =	sshrl.u32 s1, $0x2  }
0xbf: {  	s3 =	sand.u32 $0x4000, s31;
	s1 =	sadd.s32 s1, s30  }
0xc0: {  	s0 =	sor.u32 s3, s0;
	s1 =	sshll.u32 s1, $0x11  }
0xc1: {  	s0 =	sor.u32 s1, s0  }
0xc2: {  	s0 =	sadd.s32 $0x8F2B, s0  }
0xc3: {  	[sflag:s0] =	ssyncadd.remote.s32 $0x1  }
0xc4: {  	_ =	sfence.sel $0xFFFF  }
0xc5: {  	[dreg:$0x0] =	wrdreg $0xFFFFFFFF;
	(pc) =	sbr.abs _section_cstart, $3  }
0xc6: {  	[dreg:$0x1] =	wrdreg $0xFFFFFFFF  }
0xc7: {  	_ =	task.clear_ibuf [dreg:s7], $0x2FFFF;
	_ =	strace $0x9FFFFFFF  }
0xc8: {  	(tm) =	ssettm $0x7FFFFFFF  }
0xc9: {  	_ =	shalt  }
tec
execute0_lowered:
.L_overlay_start_1:
0x0: {  	(tag) =	ssettag $0x1  }
0x1: {  	s1 =	rddreg [dreg:$0x0];
	s2 =	srdreg.scid  }
0x2: {  	s0 =	stileid.u32;
	s3 =	rddreg [dreg:$0x1]  }
0x3: {  	s17 =	simm.s32 $0x880;
	s18 =	simm.s32 $0x1080;
	s19 =	simm.s32 $0x1880  }
0x4: {  	s20 =	simm.s32 $0x2080;
	s4 =	sand.u32 $0x1, s2;
	s2 =	simm.s32 $0x0  }
0x5: {  	s22 =	simm.s32 $0x2880;
	s23 =	simm.s32 $0x3080;
	[smem:$0x7FF] =	sst s2  }
0x6: {  	s24 =	simm.s32 $0x3880;
	_ =	strace $0x80000047;
	[dreg:$0x5] =	wrdreg s17  }
0x7: {  	s7 =	simm.s32 $0x4080;
	s8 =	simm.s32 $0x4880;
	[dreg:$0x6] =	wrdreg s18  }
0x8: {  	s9 =	simm.s32 $0x5080;
	s10 =	simm.s32 $0x5880;
	[dreg:$0x7] =	wrdreg s19  }
0x9: {  	s12 =	simm.s32 $0x6080;
	s25 =	simm.s32 $0x6880;
	[dreg:$0x8] =	wrdreg s20  }
0xa: {  	s26 =	simm.s32 $0x7080;
	s13 =	simm.s32 $0x80;
	[dreg:$0x9] =	wrdreg s22  }
0xb: {  	s15 =	simm.s32 $0x8080;
	s28 =	simm.s32 $0xE080;
	[dreg:$0xa] =	wrdreg s23  }
0xc: {  	s29 =	simm.s32 $0xE880;
	s30 =	simm.s32 $0xF080;
	[dreg:$0xb] =	wrdreg s24  }
0xd: {  	s31 =	simm.s32 $0xF880;
	s5 =	sshll.u32 s0, $0x1;
	[dreg:$0xc] =	wrdreg s7  }
0xe: {  	s5 =	sor.u32 s4, s5;
	s4 =	ssub.s32 $0x2, s4;
	[dreg:$0xd] =	wrdreg s8  }
0xf: {  	s6 =	sshll.u32 s5, $0xD;
	s5 =	sshll.u32 s5, $0x4;
	[dreg:$0xe] =	wrdreg s9  }
0x10: {  	s21 =	sshrl.u32 s4, $0x1;
	s7 =	sadd.s32 $0x1D3C00, s1;
	[dreg:$0xf] =	wrdreg s10  }
0x11: {  	s8 =	sadd.s32 $0x1D3D00, s1;
	s9 =	sadd.s32 $0x1D3E00, s1;
	[dreg:$0x10] =	wrdreg s12  }
0x12: {  	s10 =	sadd.s32 $0x1D3F00, s1;
	[dreg:$0x11] =	wrdreg s25;
	s12 =	simm.s32 $0x2  }
0x13: {  	[dreg:$0x12] =	wrdreg s26;
	s17 =	simm.s32 $0x9080;
	s18 =	simm.s32 $0x9880  }
0x14: {  	s19 =	simm.s32 $0xA080;
	s20 =	simm.s32 $0xA880;
	s22 =	simm.s32 $0xB880  }
0x15: {  	s23 =	simm.s32 $0xC080;
	s24 =	simm.s32 $0xC880;
	s25 =	simm.s32 $0xD080  }
0x16: {  	s26 =	simm.s32 $0xD880;
	s6 =	sadd.s32 s6, s1;
	s3 =	sadd.s32 s3, s5  }
0x17: {  	s11 =	ssub.s32 s4, s21;
	s4 =	sadd.s32 $0x1D3900, s1;
	s5 =	sadd.s32 $0x1D3A00, s1  }
0x18: {  	v2 =	vlaneseq.u32;
	s21 =	simm.s32 $0xB080;
	[dreg:$0x3] =	wrdreg s3;
	s16 =	sadd.s32 $0x3800, s6  }
0x19: {  	vm0 =	vmmov $0xffff;
	v1 =	vshrl.u32 v2, $0x3;
	s3 =	sadd.s32 $0x1D3800, s1;
	s6 =	sadd.s32 $0x1D3B00, s1;
	s11 =	smax.u32 s11, $0x1  }
0x1a: {  	v0 =	vand.u32 $0x7, v2;
	v2 =	vor.u32 $0x8, v2;
	v1 =	vmul.u32 $0x8, v1;
	s1 =	simm.s32 $0x1;
	[dreg:$0x4] =	wrdreg s16;
	s16 =	simm.s32 $0x8880  }
.LBB2_1:
0x1b: {  	s0 =	rddreg [dreg:$0x3]  }
0x1c: {  	[tilespmem:s2], [sflag:$0x2] =	stream.linear.gather [hbm4b:s0+s2], $0x80, $0x38;
	[tilespmem:$0x10080] =	vst v63  }
0x1d: {  	_ =	swait.ge [sflag:s12], $0x80  }
0x1e: {  	[sflag:s12] =	ssyncset.done $0x0  }
0x1f: {  	[sflag:s12] =	ssyncadd.s32 $0xFFFFFF80  }
0x20: {  	v3 =	vld [tilespmem:$0x0];
	_ =	sdelay $0x4  }
0x21: {  	v4 =	vshll.u32 v3, $0x4  }
0x22: {  	v3 =	vand.u32 $0x7, v3;
	v4 =	vand.u32 $0xFFFFFF80, v4  }
0x23: {  	v3 =	vor.u32 v3, v4  }
0x24: {  	v4 =	vperm.xlane v3, v0;
	_ =	sdelay $0x1  }
0x25: {  	v4 =	vadd.s32 v1, v4;
	_ =	sdelay $0x4  }
0x26: {  	[tilespmem:s13], [sflag:$0x1] =	stream.indirect_vreg.gather [hbm4b:s3+s2], $0x80, v4, vm0, $0xb8;
	[tilespmem:$0x10080] =	vst v63  }
0x27: {  	s0 =	rddreg [dreg:$0x5]  }
0x28: {  	[tilespmem:s0], [sflag:$0x1] =	stream.indirect_vreg.gather [hbm4b:s4+s2], $0x80, v4, vm0, $0xb8;
	[tilespmem:$0x10080] =	vst v63  }
0x29: {  	s14 =	rddreg [dreg:$0x6]  }
0x2a: {  	[tilespmem:s14], [sflag:$0x1] =	stream.indirect_vreg.gather [hbm4b:s5+s2], $0x80, v4, vm0, $0xb8;
	[tilespmem:$0x10080] =	vst v63  }
0x2b: {  	s0 =	rddreg [dreg:$0x7]  }
0x2c: {  	[tilespmem:s0], [sflag:$0x1] =	stream.indirect_vreg.gather [hbm4b:s6+s2], $0x80, v4, vm0, $0xb8;
	[tilespmem:$0x10080] =	vst v63  }
0x2d: {  	s14 =	rddreg [dreg:$0x8]  }
0x2e: {  	[tilespmem:s14], [sflag:$0x1] =	stream.indirect_vreg.gather [hbm4b:s7+s2], $0x80, v4, vm0, $0xb8;
	[tilespmem:$0x10080] =	vst v63  }
0x2f: {  	v3 =	vperm.xlane v3, v2;
	s0 =	rddreg [dreg:$0x9]  }
0x30: {  	[tilespmem:s0], [sflag:$0x1] =	stream.indirect_vreg.gather [hbm4b:s8+s2], $0x80, v4, vm0, $0xb8;
	[tilespmem:$0x10080] =	vst v63  }
0x31: {  	v3 =	vadd.s32 v1, v3;
	s14 =	rddreg [dreg:$0xa]  }
0x32: {  	[tilespmem:s14], [sflag:$0x1] =	stream.indirect_vreg.gather [hbm4b:s9+s2], $0x80, v4, vm0, $0xb8;
	[tilespmem:$0x10080] =	vst v63  }
0x33: {  	s0 =	rddreg [dreg:$0xb]  }
0x34: {  	[tilespmem:s0], [sflag:$0x1] =	stream.indirect_vreg.gather [hbm4b:s10+s2], $0x80, v4, vm0, $0xb8;
	[tilespmem:$0x10080] =	vst v63  }
0x35: {  	s14 =	rddreg [dreg:$0xc]  }
0x36: {  	[tilespmem:s14], [sflag:$0x1] =	stream.indirect_vreg.gather [hbm4b:s3+s2], $0x80, v3, vm0, $0xb8;
	[tilespmem:$0x10080] =	vst v63  }
0x37: {  	s0 =	rddreg [dreg:$0xd]  }
0x38: {  	[tilespmem:s0], [sflag:$0x1] =	stream.indirect_vreg.gather [hbm4b:s4+s2], $0x80, v3, vm0, $0xb8;
	[tilespmem:$0x10080] =	vst v63  }
0x39: {  	s14 =	rddreg [dreg:$0xe]  }
0x3a: {  	[tilespmem:s14], [sflag:$0x1] =	stream.indirect_vreg.gather [hbm4b:s5+s2], $0x80, v3, vm0, $0xb8;
	[tilespmem:$0x10080] =	vst v63  }
0x3b: {  	s0 =	rddreg [dreg:$0xf]  }
0x3c: {  	[tilespmem:s0], [sflag:$0x1] =	stream.indirect_vreg.gather [hbm4b:s6+s2], $0x80, v3, vm0, $0xb8;
	[tilespmem:$0x10080] =	vst v63  }
0x3d: {  	s14 =	rddreg [dreg:$0x10]  }
0x3e: {  	[tilespmem:s14], [sflag:$0x1] =	stream.indirect_vreg.gather [hbm4b:s7+s2], $0x80, v3, vm0, $0xb8;
	[tilespmem:$0x10080] =	vst v63  }
0x3f: {  	s0 =	rddreg [dreg:$0x11]  }
0x40: {  	[tilespmem:s0], [sflag:$0x1] =	stream.indirect_vreg.gather [hbm4b:s8+s2], $0x80, v3, vm0, $0xb8;
	[tilespmem:$0x10080] =	vst v63  }
0x41: {  	s14 =	rddreg [dreg:$0x12]  }
0x42: {  	[tilespmem:s14], [sflag:$0x1] =	stream.indirect_vreg.gather [hbm4b:s9+s2], $0x80, v3, vm0, $0xb8;
	[tilespmem:$0x10080] =	vst v63  }
0x43: {  	s14 =	simm.s32 $0x7880  }
0x44: {  	[tilespmem:s14], [sflag:$0x1] =	stream.indirect_vreg.gather [hbm4b:s10+s2], $0x80, v3, vm0, $0xb8;
	[tilespmem:$0x10080] =	vst v63  }
0x45: {  	v3 =	vld [tilespmem:$0x10];
	_ =	sdelay $0x4  }
0x46: {  	v63 =	vshll.u32 v3, $0x4  }
0x47: {  	v3 =	vand.u32 $0x7, v3;
	v4 =	vand.u32 $0xFFFFFF80, v63  }
0x48: {  	v3 =	vor.u32 v3, v4  }
0x49: {  	v4 =	vperm.xlane v3, v0;
	_ =	sdelay $0x1  }
0x4a: {  	v4 =	vadd.s32 v1, v4;
	_ =	sdelay $0x4  }
0x4b: {  	[tilespmem:s15], [sflag:$0x1] =	stream.indirect_vreg.gather [hbm4b:s3+s2], $0x80, v4, vm0, $0xb8;
	[tilespmem:$0x10080] =	vst v63  }
0x4c: {  	_ = 	snop  }
0x4d: {  	[tilespmem:s16], [sflag:$0x1] =	stream.indirect_vreg.gather [hbm4b:s4+s2], $0x80, v4, vm0, $0xb8;
	[tilespmem:$0x10080] =	vst v63  }
0x4e: {  	_ = 	snop  }
0x4f: {  	[tilespmem:s17], [sflag:$0x1] =	stream.indirect_vreg.gather [hbm4b:s5+s2], $0x80, v4, vm0, $0xb8;
	[tilespmem:$0x10080] =	vst v63  }
0x50: {  	_ = 	snop  }
0x51: {  	[tilespmem:s18], [sflag:$0x1] =	stream.indirect_vreg.gather [hbm4b:s6+s2], $0x80, v4, vm0, $0xb8;
	[tilespmem:$0x10080] =	vst v63  }
0x52: {  	_ = 	snop  }
0x53: {  	[tilespmem:s19], [sflag:$0x1] =	stream.indirect_vreg.gather [hbm4b:s7+s2], $0x80, v4, vm0, $0xb8;
	[tilespmem:$0x10080] =	vst v63  }
0x54: {  	v3 =	vperm.xlane v3, v2  }
0x55: {  	[tilespmem:s20], [sflag:$0x1] =	stream.indirect_vreg.gather [hbm4b:s8+s2], $0x80, v4, vm0, $0xb8;
	[tilespmem:$0x10080] =	vst v63  }
0x56: {  	v3 =	vadd.s32 v1, v3  }
0x57: {  	[tilespmem:s21], [sflag:$0x1] =	stream.indirect_vreg.gather [hbm4b:s9+s2], $0x80, v4, vm0, $0xb8;
	[tilespmem:$0x10080] =	vst v63  }
0x58: {  	_ = 	snop  }
0x59: {  	[tilespmem:s22], [sflag:$0x1] =	stream.indirect_vreg.gather [hbm4b:s10+s2], $0x80, v4, vm0, $0xb8;
	[tilespmem:$0x10080] =	vst v63  }
0x5a: {  	_ = 	snop  }
0x5b: {  	[tilespmem:s23], [sflag:$0x1] =	stream.indirect_vreg.gather [hbm4b:s3+s2], $0x80, v3, vm0, $0xb8;
	[tilespmem:$0x10080] =	vst v63  }
0x5c: {  	_ = 	snop  }
0x5d: {  	[tilespmem:s24], [sflag:$0x1] =	stream.indirect_vreg.gather [hbm4b:s4+s2], $0x80, v3, vm0, $0xb8;
	[tilespmem:$0x10080] =	vst v63  }
0x5e: {  	_ = 	snop  }
0x5f: {  	[tilespmem:s25], [sflag:$0x1] =	stream.indirect_vreg.gather [hbm4b:s5+s2], $0x80, v3, vm0, $0xb8;
	[tilespmem:$0x10080] =	vst v63  }
0x60: {  	_ = 	snop  }
0x61: {  	[tilespmem:s26], [sflag:$0x1] =	stream.indirect_vreg.gather [hbm4b:s6+s2], $0x80, v3, vm0, $0xb8;
	[tilespmem:$0x10080] =	vst v63  }
0x62: {  	_ = 	snop  }
0x63: {  	[tilespmem:s28], [sflag:$0x1] =	stream.indirect_vreg.gather [hbm4b:s7+s2], $0x80, v3, vm0, $0xb8;
	[tilespmem:$0x10080] =	vst v63  }
0x64: {  	_ = 	snop  }
0x65: {  	[tilespmem:s29], [sflag:$0x1] =	stream.indirect_vreg.gather [hbm4b:s8+s2], $0x80, v3, vm0, $0xb8;
	[tilespmem:$0x10080] =	vst v63  }
0x66: {  	_ = 	snop  }
0x67: {  	[tilespmem:s30], [sflag:$0x1] =	stream.indirect_vreg.gather [hbm4b:s9+s2], $0x80, v3, vm0, $0xb8;
	[tilespmem:$0x10080] =	vst v63  }
0x68: {  	_ = 	snop  }
0x69: {  	[tilespmem:s31], [sflag:$0x1] =	stream.indirect_vreg.gather [hbm4b:s10+s2], $0x80, v3, vm0, $0xb8;
	[tilespmem:$0x10080] =	vst v63  }
0x6a: {  	_ =	swait.ge [sflag:s1], $0x10000  }
0x6b: {  	p0 =	sne.s32 s11, $0x1;
	[sflag:s1] =	ssyncset.done $0x0  }
.Ltmp0:
0x6c: {  	s14 =	rddreg [dreg:$0x4];
	[sflag:s1] =	ssyncadd.s32 $0xFFFF0000;
	(pc) =	sbr.rel @p0 .LBB2_1-.Ltmp0, $4  }
0x6d: {  	[hbm4b:s14+s2] =	stream.linear.scatter [tilespmem:s13], [sflag:$0x2], $0x10000, $0x38;
	[tilespmem:$0x10080] =	vst v63  }
0x6e: {  	_ =	swait.ge [sflag:s12], $0x10000  }
0x6f: {  	[sflag:s12] =	ssyncset.done $0x0  }
0x70: {  	s11 =	sadd.s32 $0xFFFFFFFF, s11;
	[sflag:s12] =	ssyncadd.s32 $0xFFFF0000  }
0x71: {  	_ =	sfence.sel $0x180000  }
0x72: {  	[bflag:$0x0] =	sbarrier.arrive $0xFFFF  }
0x73: {  	_ =	strace $0x90000047  }
0x74: {  	s0 =	stileid.u32;
	[bflag:$0x2] =	sbarrier.arrive $0xFFFF  }
0x75: {  	p0 =	sne.s32 s0, $0x0;
	s0 =	rddreg [dreg:$0x2]  }
0x76: {  	s0 =	sadd.s32 @!p0 $0x100000, s0  }
0x77: {  	[sflag:s0] =	ssyncadd.tile.s32 @!p0 $0x1;
	_ =	shalt  }
.Lfunc_end2:
_tile_overlayer_lowered:
.L_overlay_start_2:
0x78: {  	(tag) =	ssettag $0x2  }
0x79: {  	s0 =	rddreg [dreg:$0x0];
	s2 =	stileid.u32  }
0x7a: {  	s1 =	rddreg [dreg:$0x1];
	p0 =	sne.s32 s2, $0x0  }
0x7b: {  	s3 =	rddreg [dreg:$0x2];
	[bflag:$0x3] =	sbarrier.arrive $0xFFFF;
	s2 =	simm.s32 @!p0 $0x1C02  }
0x7c: {  	[timem:s3], [sflag:s2] =	dma.local @!p0 [hbm:s0], s1  }
0x7d: {  	s0 =	simm.s32 @!p0 $0x2  }
0x7e: {  	_ =	swait.ge @!p0 [sflag:s0], s1  }
0x7f: {  	s1 =	ssub.s32 @!p0 $0x0, s1;
	[sflag:s0] =	ssyncset.done @!p0 $0x0  }
0x80: {  	[sflag:s0] =	ssyncadd.s32 @!p0 s1  }
0x81: {  	[bflag:$0x3] =	sbarrier.arrive $0xFFFF  }
0x82: {  	_ =	shalt  }

</sc_bundles>
